<compile_context>
chip_gen: v7x
topology: tpu7x:2x2x1
jax: 0.10.2.dev20260603
libtpu: 0.0.44.dev20260713+nightly
codegen_flags: <defaults>
</compile_context>

<pallas_src>
import functools

import jax
import jax.numpy as jnp
from jax import lax
from jax.experimental import pallas as pl
from jax.experimental.pallas import tpu as pltpu
from jax.experimental.pallas import tpu_sc as plsc

_NC = 2
_NS = 16
_NW = _NC * _NS


def _sc_gather(ids, table, n_ch, ch, nbuf):
    V, D = table.shape
    bpw = n_ch * ch
    B = _NW * bpw
    wpr = ids.shape[1] // bpw
    mesh = plsc.VectorSubcoreMesh(core_axis_name="c", subcore_axis_name="s")
    L = nbuf - 2

    @functools.partial(
        pl.kernel,
        mesh=mesh,
        out_type=jax.ShapeDtypeStruct((B, D), jnp.float32),
        scratch_types=[
            pltpu.VMEM((bpw,), jnp.int32),
            pltpu.VMEM((nbuf, ch, D), jnp.float32),
            pltpu.SemaphoreType.DMA((nbuf,)),
            pltpu.SemaphoreType.DMA((nbuf,)),
        ],
    )
    def k(idx_hbm, table_hbm, out_hbm, idx_v, bufs, gsem, ssem):
        wid = lax.axis_index("s") * _NC + lax.axis_index("c")
        base = wid * bpw

        pltpu.sync_copy(idx_hbm.at[wid // wpr, pl.ds((wid % wpr) * bpw, bpw)], idx_v)

        def g_start(i, b):
            pltpu.async_copy(
                table_hbm.at[idx_v.at[pl.ds(i * ch, ch)]], bufs.at[b], gsem.at[b]
            )

        def g_wait(b):
            pltpu.make_async_copy(
                table_hbm.at[idx_v.at[pl.ds(0, ch)]], bufs.at[b], gsem.at[b]
            ).wait()

        def s_start(i, b):
            pltpu.async_copy(
                bufs.at[b], out_hbm.at[pl.ds(base + i * ch, ch)], ssem.at[b]
            )

        def s_wait(b):
            pltpu.make_async_copy(
                bufs.at[b], out_hbm.at[pl.ds(base, ch)], ssem.at[b]
            ).wait()

        for j in range(L):
            g_start(j, j)

        def head(i, carry):
            b = lax.rem(i, nbuf)
            g_wait(b)
            s_start(i, b)
            g_start(i + L, lax.rem(i + L, nbuf))
            return carry

        def steady(i, carry):
            b = lax.rem(i, nbuf)
            bj = lax.rem(i + L, nbuf)
            g_wait(b)
            s_start(i, b)
            s_wait(bj)
            g_start(i + L, bj)
            return carry

        def tail(i, carry):
            b = lax.rem(i, nbuf)
            g_wait(b)
            s_start(i, b)
            return carry

        lax.fori_loop(0, nbuf - L, head, 0)
        lax.fori_loop(nbuf - L, n_ch - L, steady, 0)
        lax.fori_loop(n_ch - L, n_ch, tail, 0)
        for b in range(nbuf):
            s_wait(b)

    return k(ids, table)


def _rope_tc(inv2, seq, hd):

    def body(if_ref, cos_ref, sin_ref, pos_ref):
        pos = lax.broadcasted_iota(jnp.int32, (seq, hd), 0).astype(jnp.float32)
        freqs = pos * if_ref[...]
        cos_ref[...] = jnp.cos(freqs)
        sin_ref[...] = jnp.sin(freqs)
        pos_ref[...] = lax.broadcasted_iota(jnp.int32, (1, seq), 1)

    return pl.pallas_call(
        body,
        out_shape=(
            jax.ShapeDtypeStruct((seq, hd), jnp.float32),
            jax.ShapeDtypeStruct((seq, hd), jnp.float32),
            jax.ShapeDtypeStruct((1, seq), jnp.int32),
        ),
    )(inv2)


def kernel(input_ids, table, inv_freq):
    batch, seq = input_ids.shape
    V, D = table.shape
    hd = 2 * inv_freq.shape[0]

    B = batch * seq
    ch = 8
    nbuf = 6
    n_ch = B // (_NW * ch)

    ids = input_ids.astype(jnp.int32)
    hidden = _sc_gather(ids, table, n_ch, ch, nbuf).reshape(batch, seq, D)

    inv2 = jnp.concatenate([inv_freq, inv_freq]).reshape(1, hd)
    cos, sin, position_ids = _rope_tc(inv2, seq, hd)
    return (hidden, position_ids, (cos[None], sin[None]))

# --- scband reference (transcript-rebuilt; emitter-appended) ---
"""Pipeline reference for scband-embedding-layer-26362509262852 (READ-ONLY COPY).

The authoritative reference and input builder live on the scoring server;
editing this copy changes nothing except your own understanding.
"""

import jax, jax.numpy as jnp
import numpy as np

VOCAB = 100000
D_MODEL = 2048
HEAD_DIM = 128
THETA = 10000.0
BATCH = 4
SEQ_LEN = 4096


def setup_inputs(seed: int = 0) -> dict:
    key = jax.random.key(seed)
    k1, k2 = jax.random.split(key)
    input_ids = jax.random.randint(k1, (BATCH, SEQ_LEN), 0, VOCAB, dtype=jnp.int32)
    table = jax.random.normal(k2, (VOCAB, D_MODEL), dtype=jnp.float32) * 0.02
    inv_freq = 1.0 / (THETA ** (jnp.arange(0, HEAD_DIM, 2, dtype=jnp.float32) / HEAD_DIM))
    return {"input_ids": input_ids, "table": table, "inv_freq": inv_freq}


def reference(input_ids, table, inv_freq):
    # EmbeddingLayer.forward
    input_ids = input_ids.astype(jnp.int32)
    # hidden_states = self.embed_tokens(input_ids)
    hidden_states = jnp.take(table, input_ids, axis=0)
    seq_len = input_ids.shape[1]
    position_ids = jnp.arange(seq_len, dtype=jnp.int32)[None, :]
    # rotary_emb(hidden_states, position_ids) -> (cos, sin), Llama-style
    freqs = position_ids[:, :, None].astype(jnp.float32) * inv_freq[None, None, :]
    emb = jnp.concatenate([freqs, freqs], axis=-1)
    cos = jnp.cos(emb).astype(hidden_states.dtype)
    sin = jnp.sin(emb).astype(hidden_states.dtype)
    return (hidden_states, position_ids, (cos, sin))

if __name__ == "__main__":
    import jax
    _d = setup_inputs()
    print(jax.jit(kernel)(*tuple(_d.values())))

</pallas_src>

<mosaic_0001>
#map = affine_map<(d0, d1) -> (0, 0)>
module attributes {stable_mosaic.version = 14 : i64} {
  func.func @k(%arg0: i32, %arg1: i32, %arg2: memref<4x4096xi32, #tpu.memory_space<hbm>>, %arg3: memref<100000x2048xf32, #tpu.memory_space<hbm>>, %arg4: memref<16384x2048xf32, #tpu.memory_space<hbm>>, %arg5: memref<512xi32, #tpu.memory_space<vmem>>, %arg6: memref<6x8x2048xf32, #tpu.memory_space<vmem>>, %arg7: memref<6x!tpu.dma_semaphore, #tpu.memory_space<semaphore_mem>>, %arg8: memref<6x!tpu.dma_semaphore, #tpu.memory_space<semaphore_mem>>) attributes {dimension_semantics = [#tpu.dimension_semantics<core_parallel>, #tpu.dimension_semantics<subcore_parallel>], iteration_bounds = array<i64: 2, 16>, scalar_prefetch = 0 : i64, scratch_operands = 4 : i64, tpu.core_type = #tpu.core_type<sc_vector_subcore>, window_params = [{transform_indices = #map}, {transform_indices = #map}, {transform_indices = #map}]} {
    %mul3A = arith.constant 2 : i32
    %mul3A_0 = arith.muli %arg1, %mul3A : i32
    %add3A = arith.addi %mul3A_0, %arg0 : i32
    %mul3A_1 = arith.constant 512 : i32
    %mul3A_2 = arith.muli %add3A, %mul3A_1 : i32
    %jit3A = arith.constant 8 : i32
    %div3A = arith.divsi %add3A, %jit3A : i32
    %sign3A = arith.constant 0 : i32
    %sign3A_3 = arith.cmpi sgt, %add3A, %sign3A : i32
    %sign3A_4 = arith.extui %sign3A_3 : i1 to i32
    %sign3A_5 = arith.constant 0 : i32
    %sign3A_6 = arith.cmpi slt, %add3A, %sign3A_5 : i32
    %sign3A_7 = arith.extui %sign3A_6 : i1 to i32
    %sign3A_8 = arith.subi %sign3A_4, %sign3A_7 : i32
    %sign3A_9 = arith.constant 0 : i32
    %sign3A_10 = arith.cmpi sgt, %jit3A, %sign3A_9 : i32
    %sign3A_11 = arith.extui %sign3A_10 : i1 to i32
    %sign3A_12 = arith.constant 0 : i32
    %sign3A_13 = arith.cmpi slt, %jit3A, %sign3A_12 : i32
    %sign3A_14 = arith.extui %sign3A_13 : i1 to i32
    %sign3A_15 = arith.subi %sign3A_11, %sign3A_14 : i32
    %ne3A = arith.cmpi ne, %sign3A_8, %sign3A_15 : i32
    %rem3A = arith.remsi %add3A, %jit3A : i32
    %ne3A_16 = arith.constant 0 : i32
    %ne3A_17 = arith.cmpi ne, %rem3A, %ne3A_16 : i32
    %and3A = arith.andi %ne3A, %ne3A_17 : i1
    %sub3A = arith.constant 1 : i32
    %sub3A_18 = arith.subi %div3A, %sub3A : i32
    %select_n3A = arith.select %and3A, %sub3A_18, %div3A : i32
    %jit3A_19 = arith.constant 8 : i32
    %eq3A = arith.constant 0 : i32
    %eq3A_20 = arith.cmpi eq, %jit3A_19, %eq3A : i32
    %jit3A_21 = arith.constant 1 : i32
    %select_n3A_22 = arith.select %eq3A_20, %jit3A_21, %jit3A_19 : i32
    %rem3A_23 = arith.remsi %add3A, %select_n3A_22 : i32
    %ne3A_24 = arith.constant 0 : i32
    %ne3A_25 = arith.cmpi ne, %rem3A_23, %ne3A_24 : i32
    %lt3A = arith.constant 0 : i32
    %lt3A_26 = arith.cmpi slt, %rem3A_23, %lt3A : i32
    %lt3A_27 = arith.constant 0 : i32
    %lt3A_28 = arith.cmpi slt, %select_n3A_22, %lt3A_27 : i32
    %ne3A_29 = arith.xori %lt3A_26, %lt3A_28 : i1
    %and3A_30 = arith.andi %ne3A_29, %ne3A_25 : i1
    %add3A_31 = arith.addi %rem3A_23, %select_n3A_22 : i32
    %select_n3A_32 = arith.select %and3A_30, %add3A_31, %rem3A_23 : i32
    %mul3A_33 = arith.constant 512 : i32
    %mul3A_34 = arith.muli %select_n3A_32, %mul3A_33 : i32
    "tpu.region"() ({
      %run_scoped3A = tpu.sem_alloc : memref<!tpu.dma_semaphore, #tpu.memory_space<semaphore_mem>>
      %dma_start3A_198 = tpu.memref_slice %arg2[%select_n3A, %mul3A_34] : memref<4x4096xi32, #tpu.memory_space<hbm>> -> memref<1x512xi32, #tpu.memory_space<hbm>>
      %dma_start3A_199 = tpu.memref_squeeze %dma_start3A_198 : memref<1x512xi32, #tpu.memory_space<hbm>> -> memref<512xi32, #tpu.memory_space<hbm>>
      %dma_start3A_200 = tpu.memref_slice %arg2[%select_n3A, %mul3A_34] : memref<4x4096xi32, #tpu.memory_space<hbm>> -> memref<1x512xi32, #tpu.memory_space<hbm>>
      %dma_start3A_201 = tpu.memref_squeeze %dma_start3A_200 : memref<1x512xi32, #tpu.memory_space<hbm>> -> memref<512xi32, #tpu.memory_space<hbm>>
      tpu.enqueue_dma source(%dma_start3A_201 : memref<512xi32, #tpu.memory_space<hbm>>) target(%arg5 : memref<512xi32, #tpu.memory_space<vmem>>) target_semaphore(%run_scoped3A : memref<!tpu.dma_semaphore, #tpu.memory_space<semaphore_mem>>)
      %dma_wait3A_202 = tpu.memref_slice %arg2[%select_n3A, %mul3A_34] : memref<4x4096xi32, #tpu.memory_space<hbm>> -> memref<1x512xi32, #tpu.memory_space<hbm>>
      %dma_wait3A_203 = tpu.memref_squeeze %dma_wait3A_202 : memref<1x512xi32, #tpu.memory_space<hbm>> -> memref<512xi32, #tpu.memory_space<hbm>>
      %dma_wait3A_204 = tpu.memref_slice %arg2[%select_n3A, %mul3A_34] : memref<4x4096xi32, #tpu.memory_space<hbm>> -> memref<1x512xi32, #tpu.memory_space<hbm>>
      %dma_wait3A_205 = tpu.memref_squeeze %dma_wait3A_204 : memref<1x512xi32, #tpu.memory_space<hbm>> -> memref<512xi32, #tpu.memory_space<hbm>>
      tpu.wait_dma2 semaphore(%run_scoped3A : memref<!tpu.dma_semaphore, #tpu.memory_space<semaphore_mem>>) src(%dma_wait3A_205 : memref<512xi32, #tpu.memory_space<hbm>>) dst(%arg5 : memref<512xi32, #tpu.memory_space<vmem>>)
      tpu.yield
    }) : () -> ()
    %dma_start3A = arith.constant 0 : i32
    %dma_start3A_35 = arith.constant 0 : i32
    %dma_start3A_36 = arith.constant 0 : i32
    %dma_start3A_37 = arith.constant 0 : i32
    %dma_start3A_38 = tpu.memref_slice %arg6[%dma_start3A, %dma_start3A_36, %dma_start3A_37] : memref<6x8x2048xf32, #tpu.memory_space<vmem>> -> memref<1x8x2048xf32, #tpu.memory_space<vmem>>
    %dma_start3A_39 = tpu.memref_squeeze %dma_start3A_38 : memref<1x8x2048xf32, #tpu.memory_space<vmem>> -> memref<8x2048xf32, #tpu.memory_space<vmem>>
    %dma_start3A_40 = arith.constant 0 : i32
    %dma_start3A_41 = tpu.memref_slice %arg5[%dma_start3A_40] : memref<512xi32, #tpu.memory_space<vmem>> -> memref<8xi32, #tpu.memory_space<vmem>>
    %dma_start3A_42 = arith.constant 0 : i32
    %dma_start3A_43 = arith.constant 0 : i32
    %dma_start3A_44 = tpu.memref_slice %arg3[%dma_start3A_42, %dma_start3A_43] : memref<100000x2048xf32, #tpu.memory_space<hbm>> -> memref<100000x2048xf32, #tpu.memory_space<hbm>>
    %dma_start3A_45 = tpu.memref_slice %arg7[%dma_start3A_35] : memref<6x!tpu.dma_semaphore, #tpu.memory_space<semaphore_mem>> -> memref<1x!tpu.dma_semaphore, #tpu.memory_space<semaphore_mem>>
    %dma_start3A_46 = tpu.memref_squeeze %dma_start3A_45 : memref<1x!tpu.dma_semaphore, #tpu.memory_space<semaphore_mem>> -> memref<!tpu.dma_semaphore, #tpu.memory_space<semaphore_mem>>
    tpu.enqueue_indirect_dma source(%dma_start3A_44 : memref<100000x2048xf32, #tpu.memory_space<hbm>>) target(%dma_start3A_39 : memref<8x2048xf32, #tpu.memory_space<vmem>>) offsets(%dma_start3A_41 : memref<8xi32, #tpu.memory_space<vmem>>) semaphore(%dma_start3A_46 : memref<!tpu.dma_semaphore, #tpu.memory_space<semaphore_mem>>)
    %dma_start3A_47 = arith.constant 1 : i32
    %dma_start3A_48 = arith.constant 1 : i32
    %dma_start3A_49 = arith.constant 0 : i32
    %dma_start3A_50 = arith.constant 0 : i32
    %dma_start3A_51 = tpu.memref_slice %arg6[%dma_start3A_47, %dma_start3A_49, %dma_start3A_50] : memref<6x8x2048xf32, #tpu.memory_space<vmem>> -> memref<1x8x2048xf32, #tpu.memory_space<vmem>>
    %dma_start3A_52 = tpu.memref_squeeze %dma_start3A_51 : memref<1x8x2048xf32, #tpu.memory_space<vmem>> -> memref<8x2048xf32, #tpu.memory_space<vmem>>
    %dma_start3A_53 = arith.constant 8 : i32
    %dma_start3A_54 = tpu.memref_slice %arg5[%dma_start3A_53] : memref<512xi32, #tpu.memory_space<vmem>> -> memref<8xi32, #tpu.memory_space<vmem>>
    %dma_start3A_55 = arith.constant 0 : i32
    %dma_start3A_56 = arith.constant 0 : i32
    %dma_start3A_57 = tpu.memref_slice %arg3[%dma_start3A_55, %dma_start3A_56] : memref<100000x2048xf32, #tpu.memory_space<hbm>> -> memref<100000x2048xf32, #tpu.memory_space<hbm>>
    %dma_start3A_58 = tpu.memref_slice %arg7[%dma_start3A_48] : memref<6x!tpu.dma_semaphore, #tpu.memory_space<semaphore_mem>> -> memref<1x!tpu.dma_semaphore, #tpu.memory_space<semaphore_mem>>
    %dma_start3A_59 = tpu.memref_squeeze %dma_start3A_58 : memref<1x!tpu.dma_semaphore, #tpu.memory_space<semaphore_mem>> -> memref<!tpu.dma_semaphore, #tpu.memory_space<semaphore_mem>>
    tpu.enqueue_indirect_dma source(%dma_start3A_57 : memref<100000x2048xf32, #tpu.memory_space<hbm>>) target(%dma_start3A_52 : memref<8x2048xf32, #tpu.memory_space<vmem>>) offsets(%dma_start3A_54 : memref<8xi32, #tpu.memory_space<vmem>>) semaphore(%dma_start3A_59 : memref<!tpu.dma_semaphore, #tpu.memory_space<semaphore_mem>>)
    %dma_start3A_60 = arith.constant 2 : i32
    %dma_start3A_61 = arith.constant 2 : i32
    %dma_start3A_62 = arith.constant 0 : i32
    %dma_start3A_63 = arith.constant 0 : i32
    %dma_start3A_64 = tpu.memref_slice %arg6[%dma_start3A_60, %dma_start3A_62, %dma_start3A_63] : memref<6x8x2048xf32, #tpu.memory_space<vmem>> -> memref<1x8x2048xf32, #tpu.memory_space<vmem>>
    %dma_start3A_65 = tpu.memref_squeeze %dma_start3A_64 : memref<1x8x2048xf32, #tpu.memory_space<vmem>> -> memref<8x2048xf32, #tpu.memory_space<vmem>>
    %dma_start3A_66 = arith.constant 16 : i32
    %dma_start3A_67 = tpu.memref_slice %arg5[%dma_start3A_66] : memref<512xi32, #tpu.memory_space<vmem>> -> memref<8xi32, #tpu.memory_space<vmem>>
    %dma_start3A_68 = arith.constant 0 : i32
    %dma_start3A_69 = arith.constant 0 : i32
    %dma_start3A_70 = tpu.memref_slice %arg3[%dma_start3A_68, %dma_start3A_69] : memref<100000x2048xf32, #tpu.memory_space<hbm>> -> memref<100000x2048xf32, #tpu.memory_space<hbm>>
    %dma_start3A_71 = tpu.memref_slice %arg7[%dma_start3A_61] : memref<6x!tpu.dma_semaphore, #tpu.memory_space<semaphore_mem>> -> memref<1x!tpu.dma_semaphore, #tpu.memory_space<semaphore_mem>>
    %dma_start3A_72 = tpu.memref_squeeze %dma_start3A_71 : memref<1x!tpu.dma_semaphore, #tpu.memory_space<semaphore_mem>> -> memref<!tpu.dma_semaphore, #tpu.memory_space<semaphore_mem>>
    tpu.enqueue_indirect_dma source(%dma_start3A_70 : memref<100000x2048xf32, #tpu.memory_space<hbm>>) target(%dma_start3A_65 : memref<8x2048xf32, #tpu.memory_space<vmem>>) offsets(%dma_start3A_67 : memref<8xi32, #tpu.memory_space<vmem>>) semaphore(%dma_start3A_72 : memref<!tpu.dma_semaphore, #tpu.memory_space<semaphore_mem>>)
    %dma_start3A_73 = arith.constant 3 : i32
    %dma_start3A_74 = arith.constant 3 : i32
    %dma_start3A_75 = arith.constant 0 : i32
    %dma_start3A_76 = arith.constant 0 : i32
    %dma_start3A_77 = tpu.memref_slice %arg6[%dma_start3A_73, %dma_start3A_75, %dma_start3A_76] : memref<6x8x2048xf32, #tpu.memory_space<vmem>> -> memref<1x8x2048xf32, #tpu.memory_space<vmem>>
    %dma_start3A_78 = tpu.memref_squeeze %dma_start3A_77 : memref<1x8x2048xf32, #tpu.memory_space<vmem>> -> memref<8x2048xf32, #tpu.memory_space<vmem>>
    %dma_start3A_79 = arith.constant 24 : i32
    %dma_start3A_80 = tpu.memref_slice %arg5[%dma_start3A_79] : memref<512xi32, #tpu.memory_space<vmem>> -> memref<8xi32, #tpu.memory_space<vmem>>
    %dma_start3A_81 = arith.constant 0 : i32
    %dma_start3A_82 = arith.constant 0 : i32
    %dma_start3A_83 = tpu.memref_slice %arg3[%dma_start3A_81, %dma_start3A_82] : memref<100000x2048xf32, #tpu.memory_space<hbm>> -> memref<100000x2048xf32, #tpu.memory_space<hbm>>
    %dma_start3A_84 = tpu.memref_slice %arg7[%dma_start3A_74] : memref<6x!tpu.dma_semaphore, #tpu.memory_space<semaphore_mem>> -> memref<1x!tpu.dma_semaphore, #tpu.memory_space<semaphore_mem>>
    %dma_start3A_85 = tpu.memref_squeeze %dma_start3A_84 : memref<1x!tpu.dma_semaphore, #tpu.memory_space<semaphore_mem>> -> memref<!tpu.dma_semaphore, #tpu.memory_space<semaphore_mem>>
    tpu.enqueue_indirect_dma source(%dma_start3A_83 : memref<100000x2048xf32, #tpu.memory_space<hbm>>) target(%dma_start3A_78 : memref<8x2048xf32, #tpu.memory_space<vmem>>) offsets(%dma_start3A_80 : memref<8xi32, #tpu.memory_space<vmem>>) semaphore(%dma_start3A_85 : memref<!tpu.dma_semaphore, #tpu.memory_space<semaphore_mem>>)
    %scan3A = arith.constant 0 : i32
    %scan3A_86 = arith.constant 0 : i32
    %scan3A_87 = arith.constant 2 : i32
    %scan3A_88 = arith.addi %scan3A_86, %scan3A_87 : i32
    %scan3A_89 = arith.constant 1 : i32
    scf.for %scan3A_198 = %scan3A_86 to %scan3A_88 step %scan3A_89  : i32 {
      %rem3A_199 = arith.constant 6 : i32
      %rem3A_200 = arith.remsi %scan3A_198, %rem3A_199 : i32
      %dma_wait3A_201 = arith.constant 0 : i32
      %dma_wait3A_202 = arith.constant 0 : i32
      %dma_wait3A_203 = tpu.memref_slice %arg6[%rem3A_200, %dma_wait3A_201, %dma_wait3A_202] : memref<6x8x2048xf32, #tpu.memory_space<vmem>> -> memref<1x8x2048xf32, #tpu.memory_space<vmem>>
      %dma_wait3A_204 = tpu.memref_squeeze %dma_wait3A_203 : memref<1x8x2048xf32, #tpu.memory_space<vmem>> -> memref<8x2048xf32, #tpu.memory_space<vmem>>
      %dma_wait3A_205 = arith.constant 0 : i32
      %dma_wait3A_206 = tpu.memref_slice %arg5[%dma_wait3A_205] : memref<512xi32, #tpu.memory_space<vmem>> -> memref<8xi32, #tpu.memory_space<vmem>>
      %dma_wait3A_207 = arith.constant 0 : i32
      %dma_wait3A_208 = arith.constant 0 : i32
      %dma_wait3A_209 = tpu.memref_slice %arg3[%dma_wait3A_207, %dma_wait3A_208] : memref<100000x2048xf32, #tpu.memory_space<hbm>> -> memref<100000x2048xf32, #tpu.memory_space<hbm>>
      %dma_wait3A_210 = tpu.memref_slice %arg7[%rem3A_200] : memref<6x!tpu.dma_semaphore, #tpu.memory_space<semaphore_mem>> -> memref<1x!tpu.dma_semaphore, #tpu.memory_space<semaphore_mem>>
      %dma_wait3A_211 = tpu.memref_squeeze %dma_wait3A_210 : memref<1x!tpu.dma_semaphore, #tpu.memory_space<semaphore_mem>> -> memref<!tpu.dma_semaphore, #tpu.memory_space<semaphore_mem>>
      tpu.wait_indirect_dma semaphore(%dma_wait3A_211 : memref<!tpu.dma_semaphore, #tpu.memory_space<semaphore_mem>>) src(%dma_wait3A_209 : memref<100000x2048xf32, #tpu.memory_space<hbm>>) dst(%dma_wait3A_204 : memref<8x2048xf32, #tpu.memory_space<vmem>>)
      %mul3A_212 = arith.constant 8 : i32
      %mul3A_213 = arith.muli %scan3A_198, %mul3A_212 : i32
      %add3A_214 = arith.addi %mul3A_2, %mul3A_213 : i32
      %dma_start3A_215 = arith.constant 0 : i32
      %dma_start3A_216 = arith.constant 0 : i32
      %dma_start3A_217 = tpu.memref_slice %arg6[%rem3A_200, %dma_start3A_215, %dma_start3A_216] : memref<6x8x2048xf32, #tpu.memory_space<vmem>> -> memref<1x8x2048xf32, #tpu.memory_space<vmem>>
      %dma_start3A_218 = tpu.memref_squeeze %dma_start3A_217 : memref<1x8x2048xf32, #tpu.memory_space<vmem>> -> memref<8x2048xf32, #tpu.memory_space<vmem>>
      %dma_start3A_219 = arith.constant 0 : i32
      %dma_start3A_220 = tpu.memref_slice %arg4[%add3A_214, %dma_start3A_219] : memref<16384x2048xf32, #tpu.memory_space<hbm>> -> memref<8x2048xf32, #tpu.memory_space<hbm>>
      %dma_start3A_221 = tpu.memref_slice %arg8[%rem3A_200] : memref<6x!tpu.dma_semaphore, #tpu.memory_space<semaphore_mem>> -> memref<1x!tpu.dma_semaphore, #tpu.memory_space<semaphore_mem>>
      %dma_start3A_222 = tpu.memref_squeeze %dma_start3A_221 : memref<1x!tpu.dma_semaphore, #tpu.memory_space<semaphore_mem>> -> memref<!tpu.dma_semaphore, #tpu.memory_space<semaphore_mem>>
      %dma_start3A_223 = arith.constant 0 : i32
      %dma_start3A_224 = tpu.memref_slice %arg4[%add3A_214, %dma_start3A_223] : memref<16384x2048xf32, #tpu.memory_space<hbm>> -> memref<8x2048xf32, #tpu.memory_space<hbm>>
      %dma_start3A_225 = arith.constant 0 : i32
      %dma_start3A_226 = arith.constant 0 : i32
      %dma_start3A_227 = tpu.memref_slice %arg6[%rem3A_200, %dma_start3A_225, %dma_start3A_226] : memref<6x8x2048xf32, #tpu.memory_space<vmem>> -> memref<1x8x2048xf32, #tpu.memory_space<vmem>>
      %dma_start3A_228 = tpu.memref_squeeze %dma_start3A_227 : memref<1x8x2048xf32, #tpu.memory_space<vmem>> -> memref<8x2048xf32, #tpu.memory_space<vmem>>
      tpu.enqueue_dma source(%dma_start3A_228 : memref<8x2048xf32, #tpu.memory_space<vmem>>) target(%dma_start3A_224 : memref<8x2048xf32, #tpu.memory_space<hbm>>) target_semaphore(%dma_start3A_222 : memref<!tpu.dma_semaphore, #tpu.memory_space<semaphore_mem>>)
      %add3A_229 = arith.constant 4 : i32
      %add3A_230 = arith.addi %scan3A_198, %add3A_229 : i32
      %add3A_231 = arith.constant 4 : i32
      %add3A_232 = arith.addi %scan3A_198, %add3A_231 : i32
      %rem3A_233 = arith.constant 6 : i32
      %rem3A_234 = arith.remsi %add3A_232, %rem3A_233 : i32
      %mul3A_235 = arith.constant 8 : i32
      %mul3A_236 = arith.muli %add3A_230, %mul3A_235 : i32
      %dma_start3A_237 = arith.constant 0 : i32
      %dma_start3A_238 = arith.constant 0 : i32
      %dma_start3A_239 = tpu.memref_slice %arg6[%rem3A_234, %dma_start3A_237, %dma_start3A_238] : memref<6x8x2048xf32, #tpu.memory_space<vmem>> -> memref<1x8x2048xf32, #tpu.memory_space<vmem>>
      %dma_start3A_240 = tpu.memref_squeeze %dma_start3A_239 : memref<1x8x2048xf32, #tpu.memory_space<vmem>> -> memref<8x2048xf32, #tpu.memory_space<vmem>>
      %dma_start3A_241 = tpu.memref_slice %arg5[%mul3A_236] : memref<512xi32, #tpu.memory_space<vmem>> -> memref<8xi32, #tpu.memory_space<vmem>>
      %dma_start3A_242 = arith.constant 0 : i32
      %dma_start3A_243 = arith.constant 0 : i32
      %dma_start3A_244 = tpu.memref_slice %arg3[%dma_start3A_242, %dma_start3A_243] : memref<100000x2048xf32, #tpu.memory_space<hbm>> -> memref<100000x2048xf32, #tpu.memory_space<hbm>>
      %dma_start3A_245 = tpu.memref_slice %arg7[%rem3A_234] : memref<6x!tpu.dma_semaphore, #tpu.memory_space<semaphore_mem>> -> memref<1x!tpu.dma_semaphore, #tpu.memory_space<semaphore_mem>>
      %dma_start3A_246 = tpu.memref_squeeze %dma_start3A_245 : memref<1x!tpu.dma_semaphore, #tpu.memory_space<semaphore_mem>> -> memref<!tpu.dma_semaphore, #tpu.memory_space<semaphore_mem>>
      tpu.enqueue_indirect_dma source(%dma_start3A_244 : memref<100000x2048xf32, #tpu.memory_space<hbm>>) target(%dma_start3A_240 : memref<8x2048xf32, #tpu.memory_space<vmem>>) offsets(%dma_start3A_241 : memref<8xi32, #tpu.memory_space<vmem>>) semaphore(%dma_start3A_246 : memref<!tpu.dma_semaphore, #tpu.memory_space<semaphore_mem>>)
    }
    %scan3A_90 = arith.constant 2 : i32
    %scan3A_91 = arith.constant 0 : i32
    %scan3A_92 = arith.constant 2 : i32
    %scan3A_93 = arith.constant 58 : i32
    %scan3A_94 = arith.addi %scan3A_92, %scan3A_93 : i32
    %scan3A_95 = arith.constant 1 : i32
    scf.for %scan3A_198 = %scan3A_92 to %scan3A_94 step %scan3A_95  : i32 {
      %rem3A_199 = arith.constant 6 : i32
      %rem3A_200 = arith.remsi %scan3A_198, %rem3A_199 : i32
      %add3A_201 = arith.constant 4 : i32
      %add3A_202 = arith.addi %scan3A_198, %add3A_201 : i32
      %rem3A_203 = arith.constant 6 : i32
      %rem3A_204 = arith.remsi %add3A_202, %rem3A_203 : i32
      %dma_wait3A_205 = arith.constant 0 : i32
      %dma_wait3A_206 = arith.constant 0 : i32
      %dma_wait3A_207 = tpu.memref_slice %arg6[%rem3A_200, %dma_wait3A_205, %dma_wait3A_206] : memref<6x8x2048xf32, #tpu.memory_space<vmem>> -> memref<1x8x2048xf32, #tpu.memory_space<vmem>>
      %dma_wait3A_208 = tpu.memref_squeeze %dma_wait3A_207 : memref<1x8x2048xf32, #tpu.memory_space<vmem>> -> memref<8x2048xf32, #tpu.memory_space<vmem>>
      %dma_wait3A_209 = arith.constant 0 : i32
      %dma_wait3A_210 = tpu.memref_slice %arg5[%dma_wait3A_209] : memref<512xi32, #tpu.memory_space<vmem>> -> memref<8xi32, #tpu.memory_space<vmem>>
      %dma_wait3A_211 = arith.constant 0 : i32
      %dma_wait3A_212 = arith.constant 0 : i32
      %dma_wait3A_213 = tpu.memref_slice %arg3[%dma_wait3A_211, %dma_wait3A_212] : memref<100000x2048xf32, #tpu.memory_space<hbm>> -> memref<100000x2048xf32, #tpu.memory_space<hbm>>
      %dma_wait3A_214 = tpu.memref_slice %arg7[%rem3A_200] : memref<6x!tpu.dma_semaphore, #tpu.memory_space<semaphore_mem>> -> memref<1x!tpu.dma_semaphore, #tpu.memory_space<semaphore_mem>>
      %dma_wait3A_215 = tpu.memref_squeeze %dma_wait3A_214 : memref<1x!tpu.dma_semaphore, #tpu.memory_space<semaphore_mem>> -> memref<!tpu.dma_semaphore, #tpu.memory_space<semaphore_mem>>
      tpu.wait_indirect_dma semaphore(%dma_wait3A_215 : memref<!tpu.dma_semaphore, #tpu.memory_space<semaphore_mem>>) src(%dma_wait3A_213 : memref<100000x2048xf32, #tpu.memory_space<hbm>>) dst(%dma_wait3A_208 : memref<8x2048xf32, #tpu.memory_space<vmem>>)
      %mul3A_216 = arith.constant 8 : i32
      %mul3A_217 = arith.muli %scan3A_198, %mul3A_216 : i32
      %add3A_218 = arith.addi %mul3A_2, %mul3A_217 : i32
      %dma_start3A_219 = arith.constant 0 : i32
      %dma_start3A_220 = arith.constant 0 : i32
      %dma_start3A_221 = tpu.memref_slice %arg6[%rem3A_200, %dma_start3A_219, %dma_start3A_220] : memref<6x8x2048xf32, #tpu.memory_space<vmem>> -> memref<1x8x2048xf32, #tpu.memory_space<vmem>>
      %dma_start3A_222 = tpu.memref_squeeze %dma_start3A_221 : memref<1x8x2048xf32, #tpu.memory_space<vmem>> -> memref<8x2048xf32, #tpu.memory_space<vmem>>
      %dma_start3A_223 = arith.constant 0 : i32
      %dma_start3A_224 = tpu.memref_slice %arg4[%add3A_218, %dma_start3A_223] : memref<16384x2048xf32, #tpu.memory_space<hbm>> -> memref<8x2048xf32, #tpu.memory_space<hbm>>
      %dma_start3A_225 = tpu.memref_slice %arg8[%rem3A_200] : memref<6x!tpu.dma_semaphore, #tpu.memory_space<semaphore_mem>> -> memref<1x!tpu.dma_semaphore, #tpu.memory_space<semaphore_mem>>
      %dma_start3A_226 = tpu.memref_squeeze %dma_start3A_225 : memref<1x!tpu.dma_semaphore, #tpu.memory_space<semaphore_mem>> -> memref<!tpu.dma_semaphore, #tpu.memory_space<semaphore_mem>>
      %dma_start3A_227 = arith.constant 0 : i32
      %dma_start3A_228 = tpu.memref_slice %arg4[%add3A_218, %dma_start3A_227] : memref<16384x2048xf32, #tpu.memory_space<hbm>> -> memref<8x2048xf32, #tpu.memory_space<hbm>>
      %dma_start3A_229 = arith.constant 0 : i32
      %dma_start3A_230 = arith.constant 0 : i32
      %dma_start3A_231 = tpu.memref_slice %arg6[%rem3A_200, %dma_start3A_229, %dma_start3A_230] : memref<6x8x2048xf32, #tpu.memory_space<vmem>> -> memref<1x8x2048xf32, #tpu.memory_space<vmem>>
      %dma_start3A_232 = tpu.memref_squeeze %dma_start3A_231 : memref<1x8x2048xf32, #tpu.memory_space<vmem>> -> memref<8x2048xf32, #tpu.memory_space<vmem>>
      tpu.enqueue_dma source(%dma_start3A_232 : memref<8x2048xf32, #tpu.memory_space<vmem>>) target(%dma_start3A_228 : memref<8x2048xf32, #tpu.memory_space<hbm>>) target_semaphore(%dma_start3A_226 : memref<!tpu.dma_semaphore, #tpu.memory_space<semaphore_mem>>)
      %dma_wait3A_233 = arith.constant 0 : i32
      %dma_wait3A_234 = arith.constant 0 : i32
      %dma_wait3A_235 = tpu.memref_slice %arg6[%rem3A_204, %dma_wait3A_233, %dma_wait3A_234] : memref<6x8x2048xf32, #tpu.memory_space<vmem>> -> memref<1x8x2048xf32, #tpu.memory_space<vmem>>
      %dma_wait3A_236 = tpu.memref_squeeze %dma_wait3A_235 : memref<1x8x2048xf32, #tpu.memory_space<vmem>> -> memref<8x2048xf32, #tpu.memory_space<vmem>>
      %dma_wait3A_237 = arith.constant 0 : i32
      %dma_wait3A_238 = tpu.memref_slice %arg4[%mul3A_2, %dma_wait3A_237] : memref<16384x2048xf32, #tpu.memory_space<hbm>> -> memref<8x2048xf32, #tpu.memory_space<hbm>>
      %dma_wait3A_239 = tpu.memref_slice %arg8[%rem3A_204] : memref<6x!tpu.dma_semaphore, #tpu.memory_space<semaphore_mem>> -> memref<1x!tpu.dma_semaphore, #tpu.memory_space<semaphore_mem>>
      %dma_wait3A_240 = tpu.memref_squeeze %dma_wait3A_239 : memref<1x!tpu.dma_semaphore, #tpu.memory_space<semaphore_mem>> -> memref<!tpu.dma_semaphore, #tpu.memory_space<semaphore_mem>>
      %dma_wait3A_241 = arith.constant 0 : i32
      %dma_wait3A_242 = tpu.memref_slice %arg4[%mul3A_2, %dma_wait3A_241] : memref<16384x2048xf32, #tpu.memory_space<hbm>> -> memref<8x2048xf32, #tpu.memory_space<hbm>>
      %dma_wait3A_243 = arith.constant 0 : i32
      %dma_wait3A_244 = arith.constant 0 : i32
      %dma_wait3A_245 = tpu.memref_slice %arg6[%rem3A_204, %dma_wait3A_243, %dma_wait3A_244] : memref<6x8x2048xf32, #tpu.memory_space<vmem>> -> memref<1x8x2048xf32, #tpu.memory_space<vmem>>
      %dma_wait3A_246 = tpu.memref_squeeze %dma_wait3A_245 : memref<1x8x2048xf32, #tpu.memory_space<vmem>> -> memref<8x2048xf32, #tpu.memory_space<vmem>>
      tpu.wait_dma2 semaphore(%dma_wait3A_240 : memref<!tpu.dma_semaphore, #tpu.memory_space<semaphore_mem>>) src(%dma_wait3A_246 : memref<8x2048xf32, #tpu.memory_space<vmem>>) dst(%dma_wait3A_242 : memref<8x2048xf32, #tpu.memory_space<hbm>>)
      %add3A_247 = arith.constant 4 : i32
      %add3A_248 = arith.addi %scan3A_198, %add3A_247 : i32
      %mul3A_249 = arith.constant 8 : i32
      %mul3A_250 = arith.muli %add3A_248, %mul3A_249 : i32
      %dma_start3A_251 = arith.constant 0 : i32
      %dma_start3A_252 = arith.constant 0 : i32
      %dma_start3A_253 = tpu.memref_slice %arg6[%rem3A_204, %dma_start3A_251, %dma_start3A_252] : memref<6x8x2048xf32, #tpu.memory_space<vmem>> -> memref<1x8x2048xf32, #tpu.memory_space<vmem>>
      %dma_start3A_254 = tpu.memref_squeeze %dma_start3A_253 : memref<1x8x2048xf32, #tpu.memory_space<vmem>> -> memref<8x2048xf32, #tpu.memory_space<vmem>>
      %dma_start3A_255 = tpu.memref_slice %arg5[%mul3A_250] : memref<512xi32, #tpu.memory_space<vmem>> -> memref<8xi32, #tpu.memory_space<vmem>>
      %dma_start3A_256 = arith.constant 0 : i32
      %dma_start3A_257 = arith.constant 0 : i32
      %dma_start3A_258 = tpu.memref_slice %arg3[%dma_start3A_256, %dma_start3A_257] : memref<100000x2048xf32, #tpu.memory_space<hbm>> -> memref<100000x2048xf32, #tpu.memory_space<hbm>>
      %dma_start3A_259 = tpu.memref_slice %arg7[%rem3A_204] : memref<6x!tpu.dma_semaphore, #tpu.memory_space<semaphore_mem>> -> memref<1x!tpu.dma_semaphore, #tpu.memory_space<semaphore_mem>>
      %dma_start3A_260 = tpu.memref_squeeze %dma_start3A_259 : memref<1x!tpu.dma_semaphore, #tpu.memory_space<semaphore_mem>> -> memref<!tpu.dma_semaphore, #tpu.memory_space<semaphore_mem>>
      tpu.enqueue_indirect_dma source(%dma_start3A_258 : memref<100000x2048xf32, #tpu.memory_space<hbm>>) target(%dma_start3A_254 : memref<8x2048xf32, #tpu.memory_space<vmem>>) offsets(%dma_start3A_255 : memref<8xi32, #tpu.memory_space<vmem>>) semaphore(%dma_start3A_260 : memref<!tpu.dma_semaphore, #tpu.memory_space<semaphore_mem>>)
    }
    %scan3A_96 = arith.constant 58 : i32
    %scan3A_97 = arith.constant 0 : i32
    %scan3A_98 = arith.constant 60 : i32
    %scan3A_99 = arith.constant 4 : i32
    %scan3A_100 = arith.addi %scan3A_98, %scan3A_99 : i32
    %scan3A_101 = arith.constant 1 : i32
    scf.for %scan3A_198 = %scan3A_98 to %scan3A_100 step %scan3A_101  : i32 {
      %rem3A_199 = arith.constant 6 : i32
      %rem3A_200 = arith.remsi %scan3A_198, %rem3A_199 : i32
      %dma_wait3A_201 = arith.constant 0 : i32
      %dma_wait3A_202 = arith.constant 0 : i32
      %dma_wait3A_203 = tpu.memref_slice %arg6[%rem3A_200, %dma_wait3A_201, %dma_wait3A_202] : memref<6x8x2048xf32, #tpu.memory_space<vmem>> -> memref<1x8x2048xf32, #tpu.memory_space<vmem>>
      %dma_wait3A_204 = tpu.memref_squeeze %dma_wait3A_203 : memref<1x8x2048xf32, #tpu.memory_space<vmem>> -> memref<8x2048xf32, #tpu.memory_space<vmem>>
      %dma_wait3A_205 = arith.constant 0 : i32
      %dma_wait3A_206 = tpu.memref_slice %arg5[%dma_wait3A_205] : memref<512xi32, #tpu.memory_space<vmem>> -> memref<8xi32, #tpu.memory_space<vmem>>
      %dma_wait3A_207 = arith.constant 0 : i32
      %dma_wait3A_208 = arith.constant 0 : i32
      %dma_wait3A_209 = tpu.memref_slice %arg3[%dma_wait3A_207, %dma_wait3A_208] : memref<100000x2048xf32, #tpu.memory_space<hbm>> -> memref<100000x2048xf32, #tpu.memory_space<hbm>>
      %dma_wait3A_210 = tpu.memref_slice %arg7[%rem3A_200] : memref<6x!tpu.dma_semaphore, #tpu.memory_space<semaphore_mem>> -> memref<1x!tpu.dma_semaphore, #tpu.memory_space<semaphore_mem>>
      %dma_wait3A_211 = tpu.memref_squeeze %dma_wait3A_210 : memref<1x!tpu.dma_semaphore, #tpu.memory_space<semaphore_mem>> -> memref<!tpu.dma_semaphore, #tpu.memory_space<semaphore_mem>>
      tpu.wait_indirect_dma semaphore(%dma_wait3A_211 : memref<!tpu.dma_semaphore, #tpu.memory_space<semaphore_mem>>) src(%dma_wait3A_209 : memref<100000x2048xf32, #tpu.memory_space<hbm>>) dst(%dma_wait3A_204 : memref<8x2048xf32, #tpu.memory_space<vmem>>)
      %mul3A_212 = arith.constant 8 : i32
      %mul3A_213 = arith.muli %scan3A_198, %mul3A_212 : i32
      %add3A_214 = arith.addi %mul3A_2, %mul3A_213 : i32
      %dma_start3A_215 = arith.constant 0 : i32
      %dma_start3A_216 = arith.constant 0 : i32
      %dma_start3A_217 = tpu.memref_slice %arg6[%rem3A_200, %dma_start3A_215, %dma_start3A_216] : memref<6x8x2048xf32, #tpu.memory_space<vmem>> -> memref<1x8x2048xf32, #tpu.memory_space<vmem>>
      %dma_start3A_218 = tpu.memref_squeeze %dma_start3A_217 : memref<1x8x2048xf32, #tpu.memory_space<vmem>> -> memref<8x2048xf32, #tpu.memory_space<vmem>>
      %dma_start3A_219 = arith.constant 0 : i32
      %dma_start3A_220 = tpu.memref_slice %arg4[%add3A_214, %dma_start3A_219] : memref<16384x2048xf32, #tpu.memory_space<hbm>> -> memref<8x2048xf32, #tpu.memory_space<hbm>>
      %dma_start3A_221 = tpu.memref_slice %arg8[%rem3A_200] : memref<6x!tpu.dma_semaphore, #tpu.memory_space<semaphore_mem>> -> memref<1x!tpu.dma_semaphore, #tpu.memory_space<semaphore_mem>>
      %dma_start3A_222 = tpu.memref_squeeze %dma_start3A_221 : memref<1x!tpu.dma_semaphore, #tpu.memory_space<semaphore_mem>> -> memref<!tpu.dma_semaphore, #tpu.memory_space<semaphore_mem>>
      %dma_start3A_223 = arith.constant 0 : i32
      %dma_start3A_224 = tpu.memref_slice %arg4[%add3A_214, %dma_start3A_223] : memref<16384x2048xf32, #tpu.memory_space<hbm>> -> memref<8x2048xf32, #tpu.memory_space<hbm>>
      %dma_start3A_225 = arith.constant 0 : i32
      %dma_start3A_226 = arith.constant 0 : i32
      %dma_start3A_227 = tpu.memref_slice %arg6[%rem3A_200, %dma_start3A_225, %dma_start3A_226] : memref<6x8x2048xf32, #tpu.memory_space<vmem>> -> memref<1x8x2048xf32, #tpu.memory_space<vmem>>
      %dma_start3A_228 = tpu.memref_squeeze %dma_start3A_227 : memref<1x8x2048xf32, #tpu.memory_space<vmem>> -> memref<8x2048xf32, #tpu.memory_space<vmem>>
      tpu.enqueue_dma source(%dma_start3A_228 : memref<8x2048xf32, #tpu.memory_space<vmem>>) target(%dma_start3A_224 : memref<8x2048xf32, #tpu.memory_space<hbm>>) target_semaphore(%dma_start3A_222 : memref<!tpu.dma_semaphore, #tpu.memory_space<semaphore_mem>>)
    }
    %scan3A_102 = arith.constant 4 : i32
    %dma_wait3A = arith.constant 0 : i32
    %dma_wait3A_103 = arith.constant 0 : i32
    %dma_wait3A_104 = arith.constant 0 : i32
    %dma_wait3A_105 = arith.constant 0 : i32
    %dma_wait3A_106 = tpu.memref_slice %arg6[%dma_wait3A, %dma_wait3A_104, %dma_wait3A_105] : memref<6x8x2048xf32, #tpu.memory_space<vmem>> -> memref<1x8x2048xf32, #tpu.memory_space<vmem>>
    %dma_wait3A_107 = tpu.memref_squeeze %dma_wait3A_106 : memref<1x8x2048xf32, #tpu.memory_space<vmem>> -> memref<8x2048xf32, #tpu.memory_space<vmem>>
    %dma_wait3A_108 = arith.constant 0 : i32
    %dma_wait3A_109 = tpu.memref_slice %arg4[%mul3A_2, %dma_wait3A_108] : memref<16384x2048xf32, #tpu.memory_space<hbm>> -> memref<8x2048xf32, #tpu.memory_space<hbm>>
    %dma_wait3A_110 = tpu.memref_slice %arg8[%dma_wait3A_103] : memref<6x!tpu.dma_semaphore, #tpu.memory_space<semaphore_mem>> -> memref<1x!tpu.dma_semaphore, #tpu.memory_space<semaphore_mem>>
    %dma_wait3A_111 = tpu.memref_squeeze %dma_wait3A_110 : memref<1x!tpu.dma_semaphore, #tpu.memory_space<semaphore_mem>> -> memref<!tpu.dma_semaphore, #tpu.memory_space<semaphore_mem>>
    %dma_wait3A_112 = arith.constant 0 : i32
    %dma_wait3A_113 = tpu.memref_slice %arg4[%mul3A_2, %dma_wait3A_112] : memref<16384x2048xf32, #tpu.memory_space<hbm>> -> memref<8x2048xf32, #tpu.memory_space<hbm>>
    %dma_wait3A_114 = arith.constant 0 : i32
    %dma_wait3A_115 = arith.constant 0 : i32
    %dma_wait3A_116 = tpu.memref_slice %arg6[%dma_wait3A, %dma_wait3A_114, %dma_wait3A_115] : memref<6x8x2048xf32, #tpu.memory_space<vmem>> -> memref<1x8x2048xf32, #tpu.memory_space<vmem>>
    %dma_wait3A_117 = tpu.memref_squeeze %dma_wait3A_116 : memref<1x8x2048xf32, #tpu.memory_space<vmem>> -> memref<8x2048xf32, #tpu.memory_space<vmem>>
    tpu.wait_dma2 semaphore(%dma_wait3A_111 : memref<!tpu.dma_semaphore, #tpu.memory_space<semaphore_mem>>) src(%dma_wait3A_117 : memref<8x2048xf32, #tpu.memory_space<vmem>>) dst(%dma_wait3A_113 : memref<8x2048xf32, #tpu.memory_space<hbm>>)
    %dma_wait3A_118 = arith.constant 1 : i32
    %dma_wait3A_119 = arith.constant 1 : i32
    %dma_wait3A_120 = arith.constant 0 : i32
    %dma_wait3A_121 = arith.constant 0 : i32
    %dma_wait3A_122 = tpu.memref_slice %arg6[%dma_wait3A_118, %dma_wait3A_120, %dma_wait3A_121] : memref<6x8x2048xf32, #tpu.memory_space<vmem>> -> memref<1x8x2048xf32, #tpu.memory_space<vmem>>
    %dma_wait3A_123 = tpu.memref_squeeze %dma_wait3A_122 : memref<1x8x2048xf32, #tpu.memory_space<vmem>> -> memref<8x2048xf32, #tpu.memory_space<vmem>>
    %dma_wait3A_124 = arith.constant 0 : i32
    %dma_wait3A_125 = tpu.memref_slice %arg4[%mul3A_2, %dma_wait3A_124] : memref<16384x2048xf32, #tpu.memory_space<hbm>> -> memref<8x2048xf32, #tpu.memory_space<hbm>>
    %dma_wait3A_126 = tpu.memref_slice %arg8[%dma_wait3A_119] : memref<6x!tpu.dma_semaphore, #tpu.memory_space<semaphore_mem>> -> memref<1x!tpu.dma_semaphore, #tpu.memory_space<semaphore_mem>>
    %dma_wait3A_127 = tpu.memref_squeeze %dma_wait3A_126 : memref<1x!tpu.dma_semaphore, #tpu.memory_space<semaphore_mem>> -> memref<!tpu.dma_semaphore, #tpu.memory_space<semaphore_mem>>
    %dma_wait3A_128 = arith.constant 0 : i32
    %dma_wait3A_129 = tpu.memref_slice %arg4[%mul3A_2, %dma_wait3A_128] : memref<16384x2048xf32, #tpu.memory_space<hbm>> -> memref<8x2048xf32, #tpu.memory_space<hbm>>
    %dma_wait3A_130 = arith.constant 0 : i32
    %dma_wait3A_131 = arith.constant 0 : i32
    %dma_wait3A_132 = tpu.memref_slice %arg6[%dma_wait3A_118, %dma_wait3A_130, %dma_wait3A_131] : memref<6x8x2048xf32, #tpu.memory_space<vmem>> -> memref<1x8x2048xf32, #tpu.memory_space<vmem>>
    %dma_wait3A_133 = tpu.memref_squeeze %dma_wait3A_132 : memref<1x8x2048xf32, #tpu.memory_space<vmem>> -> memref<8x2048xf32, #tpu.memory_space<vmem>>
    tpu.wait_dma2 semaphore(%dma_wait3A_127 : memref<!tpu.dma_semaphore, #tpu.memory_space<semaphore_mem>>) src(%dma_wait3A_133 : memref<8x2048xf32, #tpu.memory_space<vmem>>) dst(%dma_wait3A_129 : memref<8x2048xf32, #tpu.memory_space<hbm>>)
    %dma_wait3A_134 = arith.constant 2 : i32
    %dma_wait3A_135 = arith.constant 2 : i32
    %dma_wait3A_136 = arith.constant 0 : i32
    %dma_wait3A_137 = arith.constant 0 : i32
    %dma_wait3A_138 = tpu.memref_slice %arg6[%dma_wait3A_134, %dma_wait3A_136, %dma_wait3A_137] : memref<6x8x2048xf32, #tpu.memory_space<vmem>> -> memref<1x8x2048xf32, #tpu.memory_space<vmem>>
    %dma_wait3A_139 = tpu.memref_squeeze %dma_wait3A_138 : memref<1x8x2048xf32, #tpu.memory_space<vmem>> -> memref<8x2048xf32, #tpu.memory_space<vmem>>
    %dma_wait3A_140 = arith.constant 0 : i32
    %dma_wait3A_141 = tpu.memref_slice %arg4[%mul3A_2, %dma_wait3A_140] : memref<16384x2048xf32, #tpu.memory_space<hbm>> -> memref<8x2048xf32, #tpu.memory_space<hbm>>
    %dma_wait3A_142 = tpu.memref_slice %arg8[%dma_wait3A_135] : memref<6x!tpu.dma_semaphore, #tpu.memory_space<semaphore_mem>> -> memref<1x!tpu.dma_semaphore, #tpu.memory_space<semaphore_mem>>
    %dma_wait3A_143 = tpu.memref_squeeze %dma_wait3A_142 : memref<1x!tpu.dma_semaphore, #tpu.memory_space<semaphore_mem>> -> memref<!tpu.dma_semaphore, #tpu.memory_space<semaphore_mem>>
    %dma_wait3A_144 = arith.constant 0 : i32
    %dma_wait3A_145 = tpu.memref_slice %arg4[%mul3A_2, %dma_wait3A_144] : memref<16384x2048xf32, #tpu.memory_space<hbm>> -> memref<8x2048xf32, #tpu.memory_space<hbm>>
    %dma_wait3A_146 = arith.constant 0 : i32
    %dma_wait3A_147 = arith.constant 0 : i32
    %dma_wait3A_148 = tpu.memref_slice %arg6[%dma_wait3A_134, %dma_wait3A_146, %dma_wait3A_147] : memref<6x8x2048xf32, #tpu.memory_space<vmem>> -> memref<1x8x2048xf32, #tpu.memory_space<vmem>>
    %dma_wait3A_149 = tpu.memref_squeeze %dma_wait3A_148 : memref<1x8x2048xf32, #tpu.memory_space<vmem>> -> memref<8x2048xf32, #tpu.memory_space<vmem>>
    tpu.wait_dma2 semaphore(%dma_wait3A_143 : memref<!tpu.dma_semaphore, #tpu.memory_space<semaphore_mem>>) src(%dma_wait3A_149 : memref<8x2048xf32, #tpu.memory_space<vmem>>) dst(%dma_wait3A_145 : memref<8x2048xf32, #tpu.memory_space<hbm>>)
    %dma_wait3A_150 = arith.constant 3 : i32
    %dma_wait3A_151 = arith.constant 3 : i32
    %dma_wait3A_152 = arith.constant 0 : i32
    %dma_wait3A_153 = arith.constant 0 : i32
    %dma_wait3A_154 = tpu.memref_slice %arg6[%dma_wait3A_150, %dma_wait3A_152, %dma_wait3A_153] : memref<6x8x2048xf32, #tpu.memory_space<vmem>> -> memref<1x8x2048xf32, #tpu.memory_space<vmem>>
    %dma_wait3A_155 = tpu.memref_squeeze %dma_wait3A_154 : memref<1x8x2048xf32, #tpu.memory_space<vmem>> -> memref<8x2048xf32, #tpu.memory_space<vmem>>
    %dma_wait3A_156 = arith.constant 0 : i32
    %dma_wait3A_157 = tpu.memref_slice %arg4[%mul3A_2, %dma_wait3A_156] : memref<16384x2048xf32, #tpu.memory_space<hbm>> -> memref<8x2048xf32, #tpu.memory_space<hbm>>
    %dma_wait3A_158 = tpu.memref_slice %arg8[%dma_wait3A_151] : memref<6x!tpu.dma_semaphore, #tpu.memory_space<semaphore_mem>> -> memref<1x!tpu.dma_semaphore, #tpu.memory_space<semaphore_mem>>
    %dma_wait3A_159 = tpu.memref_squeeze %dma_wait3A_158 : memref<1x!tpu.dma_semaphore, #tpu.memory_space<semaphore_mem>> -> memref<!tpu.dma_semaphore, #tpu.memory_space<semaphore_mem>>
    %dma_wait3A_160 = arith.constant 0 : i32
    %dma_wait3A_161 = tpu.memref_slice %arg4[%mul3A_2, %dma_wait3A_160] : memref<16384x2048xf32, #tpu.memory_space<hbm>> -> memref<8x2048xf32, #tpu.memory_space<hbm>>
    %dma_wait3A_162 = arith.constant 0 : i32
    %dma_wait3A_163 = arith.constant 0 : i32
    %dma_wait3A_164 = tpu.memref_slice %arg6[%dma_wait3A_150, %dma_wait3A_162, %dma_wait3A_163] : memref<6x8x2048xf32, #tpu.memory_space<vmem>> -> memref<1x8x2048xf32, #tpu.memory_space<vmem>>
    %dma_wait3A_165 = tpu.memref_squeeze %dma_wait3A_164 : memref<1x8x2048xf32, #tpu.memory_space<vmem>> -> memref<8x2048xf32, #tpu.memory_space<vmem>>
    tpu.wait_dma2 semaphore(%dma_wait3A_159 : memref<!tpu.dma_semaphore, #tpu.memory_space<semaphore_mem>>) src(%dma_wait3A_165 : memref<8x2048xf32, #tpu.memory_space<vmem>>) dst(%dma_wait3A_161 : memref<8x2048xf32, #tpu.memory_space<hbm>>)
    %dma_wait3A_166 = arith.constant 4 : i32
    %dma_wait3A_167 = arith.constant 4 : i32
    %dma_wait3A_168 = arith.constant 0 : i32
    %dma_wait3A_169 = arith.constant 0 : i32
    %dma_wait3A_170 = tpu.memref_slice %arg6[%dma_wait3A_166, %dma_wait3A_168, %dma_wait3A_169] : memref<6x8x2048xf32, #tpu.memory_space<vmem>> -> memref<1x8x2048xf32, #tpu.memory_space<vmem>>
    %dma_wait3A_171 = tpu.memref_squeeze %dma_wait3A_170 : memref<1x8x2048xf32, #tpu.memory_space<vmem>> -> memref<8x2048xf32, #tpu.memory_space<vmem>>
    %dma_wait3A_172 = arith.constant 0 : i32
    %dma_wait3A_173 = tpu.memref_slice %arg4[%mul3A_2, %dma_wait3A_172] : memref<16384x2048xf32, #tpu.memory_space<hbm>> -> memref<8x2048xf32, #tpu.memory_space<hbm>>
    %dma_wait3A_174 = tpu.memref_slice %arg8[%dma_wait3A_167] : memref<6x!tpu.dma_semaphore, #tpu.memory_space<semaphore_mem>> -> memref<1x!tpu.dma_semaphore, #tpu.memory_space<semaphore_mem>>
    %dma_wait3A_175 = tpu.memref_squeeze %dma_wait3A_174 : memref<1x!tpu.dma_semaphore, #tpu.memory_space<semaphore_mem>> -> memref<!tpu.dma_semaphore, #tpu.memory_space<semaphore_mem>>
    %dma_wait3A_176 = arith.constant 0 : i32
    %dma_wait3A_177 = tpu.memref_slice %arg4[%mul3A_2, %dma_wait3A_176] : memref<16384x2048xf32, #tpu.memory_space<hbm>> -> memref<8x2048xf32, #tpu.memory_space<hbm>>
    %dma_wait3A_178 = arith.constant 0 : i32
    %dma_wait3A_179 = arith.constant 0 : i32
    %dma_wait3A_180 = tpu.memref_slice %arg6[%dma_wait3A_166, %dma_wait3A_178, %dma_wait3A_179] : memref<6x8x2048xf32, #tpu.memory_space<vmem>> -> memref<1x8x2048xf32, #tpu.memory_space<vmem>>
    %dma_wait3A_181 = tpu.memref_squeeze %dma_wait3A_180 : memref<1x8x2048xf32, #tpu.memory_space<vmem>> -> memref<8x2048xf32, #tpu.memory_space<vmem>>
    tpu.wait_dma2 semaphore(%dma_wait3A_175 : memref<!tpu.dma_semaphore, #tpu.memory_space<semaphore_mem>>) src(%dma_wait3A_181 : memref<8x2048xf32, #tpu.memory_space<vmem>>) dst(%dma_wait3A_177 : memref<8x2048xf32, #tpu.memory_space<hbm>>)
    %dma_wait3A_182 = arith.constant 5 : i32
    %dma_wait3A_183 = arith.constant 5 : i32
    %dma_wait3A_184 = arith.constant 0 : i32
    %dma_wait3A_185 = arith.constant 0 : i32
    %dma_wait3A_186 = tpu.memref_slice %arg6[%dma_wait3A_182, %dma_wait3A_184, %dma_wait3A_185] : memref<6x8x2048xf32, #tpu.memory_space<vmem>> -> memref<1x8x2048xf32, #tpu.memory_space<vmem>>
    %dma_wait3A_187 = tpu.memref_squeeze %dma_wait3A_186 : memref<1x8x2048xf32, #tpu.memory_space<vmem>> -> memref<8x2048xf32, #tpu.memory_space<vmem>>
    %dma_wait3A_188 = arith.constant 0 : i32
    %dma_wait3A_189 = tpu.memref_slice %arg4[%mul3A_2, %dma_wait3A_188] : memref<16384x2048xf32, #tpu.memory_space<hbm>> -> memref<8x2048xf32, #tpu.memory_space<hbm>>
    %dma_wait3A_190 = tpu.memref_slice %arg8[%dma_wait3A_183] : memref<6x!tpu.dma_semaphore, #tpu.memory_space<semaphore_mem>> -> memref<1x!tpu.dma_semaphore, #tpu.memory_space<semaphore_mem>>
    %dma_wait3A_191 = tpu.memref_squeeze %dma_wait3A_190 : memref<1x!tpu.dma_semaphore, #tpu.memory_space<semaphore_mem>> -> memref<!tpu.dma_semaphore, #tpu.memory_space<semaphore_mem>>
    %dma_wait3A_192 = arith.constant 0 : i32
    %dma_wait3A_193 = tpu.memref_slice %arg4[%mul3A_2, %dma_wait3A_192] : memref<16384x2048xf32, #tpu.memory_space<hbm>> -> memref<8x2048xf32, #tpu.memory_space<hbm>>
    %dma_wait3A_194 = arith.constant 0 : i32
    %dma_wait3A_195 = arith.constant 0 : i32
    %dma_wait3A_196 = tpu.memref_slice %arg6[%dma_wait3A_182, %dma_wait3A_194, %dma_wait3A_195] : memref<6x8x2048xf32, #tpu.memory_space<vmem>> -> memref<1x8x2048xf32, #tpu.memory_space<vmem>>
    %dma_wait3A_197 = tpu.memref_squeeze %dma_wait3A_196 : memref<1x8x2048xf32, #tpu.memory_space<vmem>> -> memref<8x2048xf32, #tpu.memory_space<vmem>>
    tpu.wait_dma2 semaphore(%dma_wait3A_191 : memref<!tpu.dma_semaphore, #tpu.memory_space<semaphore_mem>>) src(%dma_wait3A_197 : memref<8x2048xf32, #tpu.memory_space<vmem>>) dst(%dma_wait3A_193 : memref<8x2048xf32, #tpu.memory_space<hbm>>)
    return
  }
}

module attributes {stable_mosaic.version = 14 : i64} {
  func.func @body(%arg0: memref<1x128xf32, #tpu.memory_space<vmem>>, %arg1: memref<4096x128xf32, #tpu.memory_space<vmem>>, %arg2: memref<4096x128xf32, #tpu.memory_space<vmem>>, %arg3: memref<1x4096xi32, #tpu.memory_space<vmem>>) attributes {dimension_semantics = [], scalar_prefetch = 0 : i64, scratch_operands = 0 : i64, tpu.core_type = #tpu.core_type<tc>} {
    %iota3A = tpu.iota {dimensions = array<i32: 0>} : vector<4096x128xi32>
    %convert_element_type3A = arith.sitofp %iota3A : vector<4096x128xi32> to vector<4096x128xf32>
    %get3A = arith.constant 0 : index
    %get3A_0 = arith.constant 0 : index
    %get3A_1 = vector.load %arg0[%get3A, %get3A_0] : memref<1x128xf32, #tpu.memory_space<vmem>>, vector<1x128xf32>
    %mul3A = vector.broadcast %get3A_1 : vector<1x128xf32> to vector<4096x128xf32>
    %mul3A_2 = arith.mulf %convert_element_type3A, %mul3A : vector<4096x128xf32>
    %cos3A = math.cos %mul3A_2 : vector<4096x128xf32>
    %swap3A = arith.constant 0 : index
    %swap3A_3 = arith.constant 0 : index
    %swap3A_4 = vector.load %arg1[%swap3A, %swap3A_3] : memref<4096x128xf32, #tpu.memory_space<vmem>>, vector<4096x128xf32>
    tpu.vector_store %arg1[%swap3A, %swap3A_3], %cos3A {strides = array<i32>} : memref<4096x128xf32, #tpu.memory_space<vmem>>, vector<4096x128xf32>,
    %sin3A = math.sin %mul3A_2 : vector<4096x128xf32>
    %swap3A_5 = arith.constant 0 : index
    %swap3A_6 = arith.constant 0 : index
    %swap3A_7 = vector.load %arg2[%swap3A_5, %swap3A_6] : memref<4096x128xf32, #tpu.memory_space<vmem>>, vector<4096x128xf32>
    tpu.vector_store %arg2[%swap3A_5, %swap3A_6], %sin3A {strides = array<i32>} : memref<4096x128xf32, #tpu.memory_space<vmem>>, vector<4096x128xf32>,
    %iota3A_8 = tpu.iota {dimensions = array<i32: 1>} : vector<1x4096xi32>
    %swap3A_9 = arith.constant 0 : index
    %swap3A_10 = arith.constant 0 : index
    %swap3A_11 = vector.load %arg3[%swap3A_9, %swap3A_10] : memref<1x4096xi32, #tpu.memory_space<vmem>>, vector<1x4096xi32>
    tpu.vector_store %arg3[%swap3A_9, %swap3A_10], %iota3A_8 {strides = array<i32>} : memref<1x4096xi32, #tpu.memory_space<vmem>>, vector<1x4096xi32>,
    return
  }
}

</mosaic_0001>

<sc_bundles>
// kernel: kernel.4.cloned.1.call-start
scs
__scs_entry_jumppad:
0x0: {  	(pc) =	sbr.rel $0x88, $3  }
0x1: {  	(tag) =	ssettag $0x0;
	lr =	simm.s32 $0x1  }
0x2: {  	[smem:$0x3F9E] =	sst lr;
	_ =	strace $0xD0000000  }
0x3: {  	_ = 	snop  }
0x4: {  	_ = 	snop  }
0x5: {  	_ = 	snop  }
0x6: {  	_ = 	snop  }
0x7: {  	_ = 	snop  }
__scs_overlays_trampoline_lowered:
0x8: {  	[smem:$0x3FAD] =	sst s0  }
0x9: {  	[smem:$0x3FAE] =	sst s1  }
0xa: {  	[smem:$0x3FAF] =	sst s2  }
0xb: {  	[smem:$0x3FB0] =	sst s3  }
0xc: {  	[smem:$0x3FB1] =	sst s4  }
0xd: {  	[smem:$0x3FB2] =	sst s5  }
0xe: {  	[smem:$0x3FB3] =	sst s6  }
0xf: {  	[smem:$0x3FB4] =	sst s7  }
0x10: {  	[smem:$0x3FB5] =	sst s8  }
0x11: {  	[smem:$0x3FB6] =	sst s9;
	s0 =	simm.s32 @!p0 $0x0  }
0x12: {  	s1 =	sld [smem:$0x3F9C];
	s0 =	simm.s32 @p0 $0x1  }
0x13: {  	[smem:$0x3FB7] =	sst s0;
	s0 =	simm.s32 @!p1 $0x0  }
0x14: {  	s2 =	sld [smem:$0x3F9B];
	s0 =	simm.s32 @p1 $0x1  }
0x15: {  	[smem:$0x3FB8] =	sst s0;
	s0 =	simm.s32 @!p2 $0x0  }
0x16: {  	s3 =	sld [smem:$0x3FDB];
	s0 =	simm.s32 @p2 $0x1  }
0x17: {  	s4 =	simm.s32 $0x1BF5;
	[smem:$0x3FBA] =	sst s0  }
0x18: {  	s0 =	sld [smem:$0x3F9D];
	_ =	swait.ge [sflag:s4], $0x0  }
0x19: {  	s7 =	sld [smem:$0x3F9E]  }
0x1a: {  	s8 =	sadd.s32 $0xFFFFE003, lr  }
0x1b: {  	s9 =	sadd.s32 $0xFFFFFEF7, lr;
	s5 =	simm.s32 $0xFFFFFFFF;
	p2 =	slt.u32 s8, $0xFFFFF086  }
0x1c: {  	p1 =	slt.u32 s9, $0xF7A;
	s5 =	simm.s32 @!p2 $0x0  }
0x1d: {  	s5 =	simm.s32 @p1 $0x1;
	p0 =	seq.s32 s7, s2  }
0x1e: {  	s7 =	smul.u32 @!p0 $0xF7A, s2;
	p2 =	seq.s32 @!p0 s5, $0x0  }
0x1f: {  	s9 =	smul.u32 $0xF7A, s1;
	s8 =	simm.s32 @!p0 $0x1BF5;
	p2 =	por !p2, p0  }
0x20: {  	[sflag:s8] =	ssyncset.s32 @!p0 $0xFFFFF086;
	s6 =	sadd.s32 @!p0 s3, s7;
	s7 =	simm.s32 @!p0 $0x108  }
0x21: {  	s3 =	sadd.s32 s3, s9;
	s6 =	sadd.s32 @!p0 $0x88, s6;
	s7 =	simm.s32 @p2 $0x1082  }
0x22: {  	[simem:s7], [sflag:s8] =	dma.local @!p0 [hbm:s6], $0xF7A  }
0x23: {  	s9 =	sor.u32 $0xD0000000, s2;
	s6 =	simm.s32 $0x108;
	_ =	swait.ge @!p0 [sflag:s8], $0x0  }
0x24: {  	s3 =	sadd.s32 $0x88, s3;
	s6 =	simm.s32 @!p1 $0x1082;
	[sflag:s4] =	ssyncset.s32 $0xFFFFF086  }
0x25: {  	[simem:s6], [sflag:s4] =	dma.local [hbm:s3], $0xF7A  }
0x26: {  	[smem:$0x3F9E] =	sst s1;
	(tag) =	ssettag s2;
	_ =	strace s9  }
0x27: {  	s1 =	sld [smem:$0x3FAE]  }
0x28: {  	s2 =	sld [smem:$0x3FAF]  }
0x29: {  	s4 =	sld [smem:$0x3FB1]  }
0x2a: {  	p0 =	seq.s32 s5, $0x0;
	s5 =	sld [smem:$0x3FB2]  }
0x2b: {  	s6 =	sld [smem:$0x3FB3]  }
0x2c: {  	s7 =	sld [smem:$0x3FB4]  }
0x2d: {  	s3 =	simm.s32 $0x108;
	s8 =	sld [smem:$0x3FB5]  }
0x2e: {  	s3 =	simm.s32 @!p0 $0x1082;
	s9 =	sld [smem:$0x3FB6]  }
0x2f: {  	lr =	sadd.s32 s0, s3;
	s0 =	sld [smem:$0x3FAD]  }
0x30: {  	s3 =	sld [smem:$0x3FB0]  }
0x31: {  	[smem:$0x3FB9] =	sst s10  }
0x32: {  	s10 =	sld [smem:$0x3FB7];
	_ =	sdelay $0x3  }
0x33: {  	p0 =	seq.s32 s10, $0x1;
	s10 =	sld [smem:$0x3FB9];
	_ =	sdelay $0x3  }
0x34: {  	[smem:$0x3FB9] =	sst s10  }
0x35: {  	s10 =	sld [smem:$0x3FB8];
	_ =	sdelay $0x3  }
0x36: {  	p1 =	seq.s32 s10, $0x1;
	s10 =	sld [smem:$0x3FB9];
	_ =	sdelay $0x3  }
0x37: {  	[smem:$0x3FB9] =	sst s10  }
0x38: {  	s10 =	sld [smem:$0x3FBA]  }
0x39: {  	_ = 	snop;
	(pc) =	sbr.ind lr, $3  }
0x3a: {  	_ = 	snop  }
0x3b: {  	_ = 	snop  }
0x3c: {  	p2 =	seq.s32 s10, $0x1;
	s10 =	sld [smem:$0x3FB9]  }
0x3d: {  	_ =	shalt  }
0x3e: {  	_ =	shalt  }
0x3f: {  	_ =	shalt  }
0x40: {  	_ =	shalt  }
0x41: {  	_ =	shalt  }
0x42: {  	_ =	shalt  }
0x43: {  	_ =	shalt  }
0x44: {  	_ =	shalt  }
0x45: {  	_ =	shalt  }
0x46: {  	_ =	shalt  }
0x47: {  	_ =	shalt  }
0x48: {  	_ =	shalt  }
0x49: {  	_ =	shalt  }
0x4a: {  	_ =	shalt  }
0x4b: {  	_ =	shalt  }
0x4c: {  	_ =	shalt  }
0x4d: {  	_ =	shalt  }
0x4e: {  	_ =	shalt  }
0x4f: {  	_ =	shalt  }
0x50: {  	_ =	shalt  }
0x51: {  	_ =	shalt  }
0x52: {  	_ =	shalt  }
0x53: {  	_ =	shalt  }
0x54: {  	_ =	shalt  }
0x55: {  	_ =	shalt  }
0x56: {  	_ =	shalt  }
0x57: {  	_ =	shalt  }
0x58: {  	_ =	shalt  }
0x59: {  	_ =	shalt  }
0x5a: {  	_ =	shalt  }
0x5b: {  	_ =	shalt  }
0x5c: {  	_ =	shalt  }
0x5d: {  	_ =	shalt  }
0x5e: {  	_ =	shalt  }
0x5f: {  	_ =	shalt  }
0x60: {  	_ =	shalt  }
0x61: {  	_ =	shalt  }
0x62: {  	_ =	shalt  }
0x63: {  	_ =	shalt  }
0x64: {  	_ =	shalt  }
0x65: {  	_ =	shalt  }
0x66: {  	_ =	shalt  }
0x67: {  	_ =	shalt  }
0x68: {  	_ =	shalt  }
0x69: {  	_ =	shalt  }
0x6a: {  	_ =	shalt  }
0x6b: {  	_ =	shalt  }
0x6c: {  	_ =	shalt  }
0x6d: {  	_ =	shalt  }
0x6e: {  	_ =	shalt  }
0x6f: {  	_ =	shalt  }
0x70: {  	_ =	shalt  }
0x71: {  	_ =	shalt  }
0x72: {  	_ =	shalt  }
0x73: {  	_ =	shalt  }
0x74: {  	_ =	shalt  }
0x75: {  	_ =	shalt  }
0x76: {  	_ =	shalt  }
0x77: {  	_ =	shalt  }
0x78: {  	_ =	shalt  }
0x79: {  	_ =	shalt  }
0x7a: {  	_ =	shalt  }
0x7b: {  	_ =	shalt  }
0x7c: {  	_ =	shalt  }
0x7d: {  	_ =	shalt  }
0x7e: {  	_ =	shalt  }
0x7f: {  	_ =	shalt  }
0x80: {  	_ =	shalt  }
0x81: {  	_ =	shalt  }
0x82: {  	_ =	shalt  }
0x83: {  	_ =	shalt  }
0x84: {  	_ =	shalt  }
0x85: {  	_ =	shalt  }
0x86: {  	_ =	shalt  }
0x87: {  	_ =	shalt  }
.Lfunc_end0:
.L_simem_size_0:
called_computation_lowered:
.L_overlay_start_0:
0x88: {  	s2 =	sld [smem:$0x3FD9]  }
0x89: {  	s3 =	sld [smem:$0x3FFE];
	_ =	sdelay $0x1  }
0x8a: {  	s1 =	srdreg.scid  }
0x8b: {  	s0 =	sand.u32 $0x1, s1  }
0x8c: {  	s15 =	sshll.u32 s0, $0xA;
	s2 =	sadd.s32 s3, s2  }
0x8d: {  	s2 =	sadd.s32 s2, s15  }
0x8e: {  	[smem:$0x3FC5] =	sst s2  }
0x8f: {  	_ = 	snop  }
0x90: {  	s2 =	sld [smem:$0x3FD0];
	_ =	sdelay $0x1  }
0x91: {  	s16 =	sld [smem:$0x3FC9]  }
0x92: {  	s5 =	simm.s32 $0xA;
	s6 =	simm.s32 $0x10;
	s4 =	sld [smem:$0x3FC8]  }
0x93: {  	[smem:s6], [sflag:s5] =	dma.local [hbm:s2], $0x1  }
0x94: {  	_ =	swait.eq [sflag:s5], $0x1  }
0x95: {  	[sflag:s5] =	ssyncset.done $0x0  }
0x96: {  	[sflag:s5] =	ssyncadd.s32 $0xFFFFFFFF  }
0x97: {  	s17 =	sld [smem:$0x10];
	(tm) =	ssettm $0x1  }
0x98: {  	s18 =	sld [smem:$0x3FFB];
	_ =	sdelay $0x3  }
0x99: {  	_ =	strace s18  }
0x9a: {  	s5 =	sld [smem:$0x3FFC];
	_ =	sdelay $0x3  }
0x9b: {  	_ =	strace s5  }
0x9c: {  	s5 =	sld [smem:$0x3FFD];
	_ =	sdelay $0x3  }
0x9d: {  	_ =	strace s5  }
0x9e: {  	_ =	strace $0x8FFFFFFF  }
0x9f: {  	s19 =	sld [smem:$0x3FDB];
	_ =	sdelay $0x1  }
0xa0: {  	s20 =	simm.s32 $_scs_section_size  }
0xa1: {  	s7 =	simm.s32 $_size__tile_overlayer_lowered;
	s8 =	simm.s32 $_tile_overlayer_lowered  }
0xa2: {  	s23 =	simm.s32 $0x1BFF;
	s22 =	sshll.u32 s8, $0x1;
	s5 =	sadd.s32 s20, s19  }
0xa3: {  	s9 =	simm.s32 $0x0;
	s21 =	sshll.u32 s7, $0x1;
	s7 =	sadd.s32 s22, s5  }
0xa4: {  	[timem:s9], [sflag:s23] =	dma.local [hbm:s7], s21  }
0xa5: {  	_ =	swait.ge [sflag:s23], s21  }
0xa6: {  	s6 =	ssub.s32 $0x0, s21;
	[sflag:s23] =	ssyncset.done $0x0  }
0xa7: {  	[sflag:s23] =	ssyncadd.s32 s6;
	_ =	sdelay $0x1  }
0xa8: {  	s24 =	simm.s32 $0x1B8B  }
0xa9: {  	_ =	swait.ge [sflag:s24], $0x1  }
0xaa: {  	[sflag:s24] =	ssyncset.done $0x0  }
0xab: {  	s25 =	simm.s32 $0x1B8E;
	[sflag:s24] =	ssyncadd.s32 $0xFFFFFFFF  }
0xac: {  	s26 =	simm.s32 $execute0_lowered;
	[smem:$0x3FD2] =	sst s25  }
0xad: {  	s6 =	sshll.u32 s26, $0x1;
	_ =	strace $0x80000046;
	[dreg:$0x1] =	wrdreg $0xFFFFFFFF  }
0xae: {  	s28 =	simm.s32 $_size_execute0_lowered;
	s5 =	sadd.s32 s5, s6;
	[dreg:$0x0] =	wrdreg $0x0  }
0xaf: {  	s6 =	sshll.u32 s28, $0x1;
	[dreg:$0x2] =	wrdreg s5  }
0xb0: {  	[dreg:$0x3] =	wrdreg s6  }
0xb1: {  	[dreg:$0x4] =	wrdreg $0xC0  }
0xb2: {  	_ =	task [dreg:s9], $0x5FFFF  }
0xb3: {  	[dreg:$0x1] =	wrdreg $0xFFFFFFFF  }
0xb4: {  	[dreg:$0x0] =	wrdreg $0x60  }
0xb5: {  	[dreg:$0x2] =	wrdreg s16  }
0xb6: {  	[dreg:$0x3] =	wrdreg s4  }
0xb7: {  	[dreg:$0x4] =	wrdreg s17  }
0xb8: {  	[dreg:$0x5] =	wrdreg $0x9  }
0xb9: {  	_ =	task.clear_ibuf [dreg:s9], $0x6FFFF;
	_ =	strace $0x90000046  }
0xba: {  	s29 =	simm.s32 $0x9;
	_ =	strace $0x80000048  }
0xbb: {  	_ =	swait.ge [sflag:s29], $0x1  }
0xbc: {  	[sflag:s29] =	ssyncadd.s32 $0xFFFFFFFF  }
0xbd: {  	_ =	strace $0x90000048  }
0xbe: {  	_ =	sfence  }
0xbf: {  	s30 =	sld [smem:$0x0];
	_ =	sdelay $0x2  }
0xc0: {  	s31 =	sshll.u32 s1, $0xD;
	s1 =	sshrl.u32 s1, $0x2  }
0xc1: {  	s3 =	sand.u32 $0x4000, s31;
	s1 =	sadd.s32 s1, s30  }
0xc2: {  	s0 =	sor.u32 s3, s0;
	s1 =	sshll.u32 s1, $0x11  }
0xc3: {  	s0 =	sor.u32 s1, s0  }
0xc4: {  	s0 =	sadd.s32 $0x8F2B, s0  }
0xc5: {  	[sflag:s0] =	ssyncadd.remote.s32 $0x1  }
0xc6: {  	_ =	sfence.sel $0xFFFF  }
0xc7: {  	[dreg:$0x0] =	wrdreg $0xFFFFFFFF;
	(pc) =	sbr.abs _section_cstart, $3  }
0xc8: {  	[dreg:$0x1] =	wrdreg $0xFFFFFFFF  }
0xc9: {  	_ =	task.clear_ibuf [dreg:s9], $0x2FFFF;
	_ =	strace $0x9FFFFFFF  }
0xca: {  	(tm) =	ssettm $0x7FFFFFFF  }
0xcb: {  	_ =	shalt  }
tec
execute0_lowered:
.L_overlay_start_1:
0x0: {  	(tag) =	ssettag $0x1  }
0x1: {  	s0 =	rddreg [dreg:$0x0]  }
0x2: {  	s1 =	rddreg [dreg:$0x1]  }
0x3: {  	s2 =	rddreg [dreg:$0x2];
	s3 =	simm.s32 $0x0  }
0x4: {  	s4 =	srdreg.scid;
	s14 =	stileid.u32;
	s15 =	simm.s32 $0x200  }
0x5: {  	s16 =	simm.s32 $0x4200;
	s17 =	simm.s32 $0x8200;
	s19 =	simm.s32 $0xC200  }
0x6: {  	s28 =	simm.s32 $0x8;
	s29 =	simm.s32 $0x9;
	s31 =	simm.s32 $0xA  }
0x7: {  	[smem:$0x7FF] =	sst s3;
	s4 =	sand.u32 $0x1, s4;
	s5 =	sshll.u32 s14, $0x1  }
0x8: {  	s20 =	sshll.u32 s14, $0x2;
	s9 =	sadd.s32 $0x500, s1;
	s10 =	sadd.s32 $0x600, s1  }
0x9: {  	s22 =	sshll.u32 s14, $0x12;
	_ =	strace $0x80000047;
	s11 =	sor.u32 s4, s5  }
0xa: {  	s6 =	ssub.s32 $0x2, s4;
	s5 =	sand.u32 $0x30, s20;
	s23 =	sshll.u32 s4, $0x11  }
0xb: {  	s4 =	simm.s32 $0xC;
	s7 =	sshll.u32 s11, $0x8;
	s8 =	sshrl.u32 s6, $0x1  }
0xc: {  	s0 =	sadd.s32 s0, s5;
	s5 =	sadd.s32 $0x100, s1;
	s7 =	sand.u32 $0x700, s7  }
0xd: {  	s21 =	sshll.u32 s11, $0x11;
	s13 =	ssub.s32 s6, s8;
	s0 =	sadd.s32 s7, s0  }
0xe: {  	s12 =	sadd.s32 s2, s21;
	s13 =	smax.u32 s13, $0x1;
	[dreg:$0x4] =	wrdreg s0  }
0xf: {  	s11 =	sadd.s32 $0x700, s1;
	s24 =	sadd.s32 $0x1E000, s12;
	[dreg:$0x5] =	wrdreg s13  }
0x10: {  	s6 =	sadd.s32 $0x200, s1;
	s25 =	sadd.s32 $0x1E800, s12;
	[dreg:$0x6] =	wrdreg s24  }
0x11: {  	s8 =	sadd.s32 $0x400, s1;
	s26 =	sadd.s32 $0x1F000, s12;
	[dreg:$0x7] =	wrdreg s25  }
0x12: {  	v0 =	vlaneseq.u32;
	s30 =	sadd.s32 $0x1F800, s12;
	s0 =	sadd.s32 s22, s2;
	[dreg:$0x8] =	wrdreg s26  }
0x13: {  	v1 =	vshrl.u32 v0, $0x3;
	s7 =	sadd.s32 $0x300, s1;
	[dreg:$0x9] =	wrdreg s30;
	s0 =	sadd.s32 s23, s0  }
0x14: {  	vm0 =	vmmov $0xffff;
	v0 =	vand.u32 $0x7, v0;
	v1 =	vmul.u32 $0x8, v1;
	s13 =	simm.s32 $0x0;
	s18 =	sadd.s32 $0x1000, s0;
	s0 =	simm.s32 $0xB  }
.LBB2_1:
0x15: {  	s2 =	rddreg [dreg:$0x4];
	s14 =	simm.s32 $0x80;
	s22 =	simm.s32 $0xD  }
0x16: {  	[tilespmem:s3], [sflag:$0xD] =	stream.strided.gather [hbm4b:s2+s14], $0x200, s15, s14, $0x38;
	[tilespmem:$0x18200] =	vst v63  }
0x17: {  	_ =	swait.ge [sflag:s22], $0x200  }
0x18: {  	[sflag:s22] =	ssyncset.done $0x0  }
0x19: {  	[sflag:s22] =	ssyncadd.s32 $0xFFFFFE00  }
0x1a: {  	v2 =	vld.msk [tilespmem:$0x0], $0xff;
	_ =	sdelay $0x4  }
0x1b: {  	v3 =	vshll.u32 v2, $0x4  }
0x1c: {  	v2 =	vand.u32 $0x7, v2;
	v3 =	vand.u32 $0xFFFFFF80, v3  }
0x1d: {  	v2 =	vor.u32 v2, v3  }
0x1e: {  	v2 =	vperm.xlane v2, v0;
	_ =	sdelay $0x1  }
0x1f: {  	v2 =	vadd.s32 v1, v2;
	_ =	sdelay $0x4  }
0x20: {  	[tilespmem:s15], [sflag:$0x1] =	stream.indirect_vreg.gather [hbm4b:s1+s3], $0x80, v2, vm0, $0xb8;
	[tilespmem:$0x18200] =	vst v63  }
0x21: {  	s23 =	simm.s32 $0xA00  }
0x22: {  	[tilespmem:s23], [sflag:$0x1] =	stream.indirect_vreg.gather [hbm4b:s5+s3], $0x80, v2, vm0, $0xb8;
	[tilespmem:$0x18200] =	vst v63  }
0x23: {  	s24 =	simm.s32 $0x1200  }
0x24: {  	[tilespmem:s24], [sflag:$0x1] =	stream.indirect_vreg.gather [hbm4b:s6+s3], $0x80, v2, vm0, $0xb8;
	[tilespmem:$0x18200] =	vst v63  }
0x25: {  	s25 =	simm.s32 $0x1A00  }
0x26: {  	[tilespmem:s25], [sflag:$0x1] =	stream.indirect_vreg.gather [hbm4b:s7+s3], $0x80, v2, vm0, $0xb8;
	[tilespmem:$0x18200] =	vst v63  }
0x27: {  	s26 =	simm.s32 $0x2200  }
0x28: {  	[tilespmem:s26], [sflag:$0x1] =	stream.indirect_vreg.gather [hbm4b:s8+s3], $0x80, v2, vm0, $0xb8;
	[tilespmem:$0x18200] =	vst v63  }
0x29: {  	s30 =	simm.s32 $0x2A00  }
0x2a: {  	[tilespmem:s30], [sflag:$0x1] =	stream.indirect_vreg.gather [hbm4b:s9+s3], $0x80, v2, vm0, $0xb8;
	[tilespmem:$0x18200] =	vst v63  }
0x2b: {  	s14 =	simm.s32 $0x3200  }
0x2c: {  	[tilespmem:s14], [sflag:$0x1] =	stream.indirect_vreg.gather [hbm4b:s10+s3], $0x80, v2, vm0, $0xb8;
	[tilespmem:$0x18200] =	vst v63  }
0x2d: {  	s15 =	simm.s32 $0x3A00  }
0x2e: {  	[tilespmem:s15], [sflag:$0x1] =	stream.indirect_vreg.gather [hbm4b:s11+s3], $0x80, v2, vm0, $0xb8;
	[tilespmem:$0x18200] =	vst v63  }
0x2f: {  	v2 =	vld.msk [tilespmem:$0x8], $0xff;
	_ =	sdelay $0x4  }
0x30: {  	v3 =	vshll.u32 v2, $0x4  }
0x31: {  	v2 =	vand.u32 $0x7, v2;
	v3 =	vand.u32 $0xFFFFFF80, v3  }
0x32: {  	v2 =	vor.u32 v2, v3  }
0x33: {  	v2 =	vperm.xlane v2, v0;
	_ =	sdelay $0x1  }
0x34: {  	v2 =	vadd.s32 v1, v2;
	_ =	sdelay $0x4  }
0x35: {  	[tilespmem:s16], [sflag:$0x2] =	stream.indirect_vreg.gather [hbm4b:s1+s3], $0x80, v2, vm0, $0xb8;
	[tilespmem:$0x18200] =	vst v63  }
0x36: {  	s16 =	simm.s32 $0x4A00  }
0x37: {  	[tilespmem:s16], [sflag:$0x2] =	stream.indirect_vreg.gather [hbm4b:s5+s3], $0x80, v2, vm0, $0xb8;
	[tilespmem:$0x18200] =	vst v63  }
0x38: {  	s20 =	simm.s32 $0x5200  }
0x39: {  	[tilespmem:s20], [sflag:$0x2] =	stream.indirect_vreg.gather [hbm4b:s6+s3], $0x80, v2, vm0, $0xb8;
	[tilespmem:$0x18200] =	vst v63  }
0x3a: {  	s21 =	simm.s32 $0x5A00  }
0x3b: {  	[tilespmem:s21], [sflag:$0x2] =	stream.indirect_vreg.gather [hbm4b:s7+s3], $0x80, v2, vm0, $0xb8;
	[tilespmem:$0x18200] =	vst v63  }
0x3c: {  	s22 =	simm.s32 $0x6200  }
0x3d: {  	[tilespmem:s22], [sflag:$0x2] =	stream.indirect_vreg.gather [hbm4b:s8+s3], $0x80, v2, vm0, $0xb8;
	[tilespmem:$0x18200] =	vst v63  }
0x3e: {  	s23 =	simm.s32 $0x6A00  }
0x3f: {  	[tilespmem:s23], [sflag:$0x2] =	stream.indirect_vreg.gather [hbm4b:s9+s3], $0x80, v2, vm0, $0xb8;
	[tilespmem:$0x18200] =	vst v63  }
0x40: {  	s24 =	simm.s32 $0x7200  }
0x41: {  	[tilespmem:s24], [sflag:$0x2] =	stream.indirect_vreg.gather [hbm4b:s10+s3], $0x80, v2, vm0, $0xb8;
	[tilespmem:$0x18200] =	vst v63  }
0x42: {  	s25 =	simm.s32 $0x7A00  }
0x43: {  	[tilespmem:s25], [sflag:$0x2] =	stream.indirect_vreg.gather [hbm4b:s11+s3], $0x80, v2, vm0, $0xb8;
	[tilespmem:$0x18200] =	vst v63  }
0x44: {  	v2 =	vld.msk [tilespmem:$0x10], $0xff;
	_ =	sdelay $0x4  }
0x45: {  	v3 =	vshll.u32 v2, $0x4  }
0x46: {  	v2 =	vand.u32 $0x7, v2;
	v3 =	vand.u32 $0xFFFFFF80, v3  }
0x47: {  	v2 =	vor.u32 v2, v3  }
0x48: {  	v2 =	vperm.xlane v2, v0;
	_ =	sdelay $0x1  }
0x49: {  	v2 =	vadd.s32 v1, v2;
	_ =	sdelay $0x4  }
0x4a: {  	[tilespmem:s17], [sflag:$0x3] =	stream.indirect_vreg.gather [hbm4b:s1+s3], $0x80, v2, vm0, $0xb8;
	[tilespmem:$0x18200] =	vst v63  }
0x4b: {  	s26 =	simm.s32 $0x8A00  }
0x4c: {  	[tilespmem:s26], [sflag:$0x3] =	stream.indirect_vreg.gather [hbm4b:s5+s3], $0x80, v2, vm0, $0xb8;
	[tilespmem:$0x18200] =	vst v63  }
0x4d: {  	s30 =	simm.s32 $0x9200  }
0x4e: {  	[tilespmem:s30], [sflag:$0x3] =	stream.indirect_vreg.gather [hbm4b:s6+s3], $0x80, v2, vm0, $0xb8;
	[tilespmem:$0x18200] =	vst v63  }
0x4f: {  	s14 =	simm.s32 $0x9A00  }
0x50: {  	[tilespmem:s14], [sflag:$0x3] =	stream.indirect_vreg.gather [hbm4b:s7+s3], $0x80, v2, vm0, $0xb8;
	[tilespmem:$0x18200] =	vst v63  }
0x51: {  	s15 =	simm.s32 $0xA200  }
0x52: {  	[tilespmem:s15], [sflag:$0x3] =	stream.indirect_vreg.gather [hbm4b:s8+s3], $0x80, v2, vm0, $0xb8;
	[tilespmem:$0x18200] =	vst v63  }
0x53: {  	s16 =	simm.s32 $0xAA00  }
0x54: {  	[tilespmem:s16], [sflag:$0x3] =	stream.indirect_vreg.gather [hbm4b:s9+s3], $0x80, v2, vm0, $0xb8;
	[tilespmem:$0x18200] =	vst v63  }
0x55: {  	s17 =	simm.s32 $0xB200  }
0x56: {  	[tilespmem:s17], [sflag:$0x3] =	stream.indirect_vreg.gather [hbm4b:s10+s3], $0x80, v2, vm0, $0xb8;
	[tilespmem:$0x18200] =	vst v63  }
0x57: {  	s20 =	simm.s32 $0xBA00  }
0x58: {  	[tilespmem:s20], [sflag:$0x3] =	stream.indirect_vreg.gather [hbm4b:s11+s3], $0x80, v2, vm0, $0xb8;
	[tilespmem:$0x18200] =	vst v63  }
0x59: {  	v2 =	vld.msk [tilespmem:$0x18], $0xff;
	_ =	sdelay $0x4  }
0x5a: {  	v3 =	vshll.u32 v2, $0x4  }
0x5b: {  	v2 =	vand.u32 $0x7, v2;
	v3 =	vand.u32 $0xFFFFFF80, v3  }
0x5c: {  	v2 =	vor.u32 v2, v3  }
0x5d: {  	v2 =	vperm.xlane v2, v0;
	_ =	sdelay $0x1  }
0x5e: {  	v2 =	vadd.s32 v1, v2;
	_ =	sdelay $0x4  }
0x5f: {  	[tilespmem:s19], [sflag:$0x4] =	stream.indirect_vreg.gather [hbm4b:s1+s3], $0x80, v2, vm0, $0xb8;
	[tilespmem:$0x18200] =	vst v63  }
0x60: {  	s21 =	simm.s32 $0xCA00  }
0x61: {  	[tilespmem:s21], [sflag:$0x4] =	stream.indirect_vreg.gather [hbm4b:s5+s3], $0x80, v2, vm0, $0xb8;
	[tilespmem:$0x18200] =	vst v63  }
0x62: {  	s22 =	simm.s32 $0xD200  }
0x63: {  	[tilespmem:s22], [sflag:$0x4] =	stream.indirect_vreg.gather [hbm4b:s6+s3], $0x80, v2, vm0, $0xb8;
	[tilespmem:$0x18200] =	vst v63  }
0x64: {  	s23 =	simm.s32 $0xDA00  }
0x65: {  	[tilespmem:s23], [sflag:$0x4] =	stream.indirect_vreg.gather [hbm4b:s7+s3], $0x80, v2, vm0, $0xb8;
	[tilespmem:$0x18200] =	vst v63  }
0x66: {  	s24 =	simm.s32 $0xE200  }
0x67: {  	[tilespmem:s24], [sflag:$0x4] =	stream.indirect_vreg.gather [hbm4b:s8+s3], $0x80, v2, vm0, $0xb8;
	[tilespmem:$0x18200] =	vst v63  }
0x68: {  	s25 =	simm.s32 $0xEA00  }
0x69: {  	[tilespmem:s25], [sflag:$0x4] =	stream.indirect_vreg.gather [hbm4b:s9+s3], $0x80, v2, vm0, $0xb8;
	[tilespmem:$0x18200] =	vst v63  }
0x6a: {  	s26 =	simm.s32 $0xF200  }
0x6b: {  	[tilespmem:s26], [sflag:$0x4] =	stream.indirect_vreg.gather [hbm4b:s10+s3], $0x80, v2, vm0, $0xb8;
	[tilespmem:$0x18200] =	vst v63  }
0x6c: {  	p0 =	por $0x1, $0x1;
	s30 =	simm.s32 $0xFA00;
	s14 =	simm.s32 $0x0  }
0x6d: {  	[tilespmem:s30], [sflag:$0x4] =	stream.indirect_vreg.gather [hbm4b:s11+s3], $0x80, v2, vm0, $0xb8;
	[tilespmem:$0x18200] =	vst v63  }
.LBB2_2:
0x6e: {  	s2 =	sadd.s32 $0x1, s14;
	s15 =	sshll.u32 s14, $0xE;
	s30 =	sshll.u32 s14, $0xB  }
0x6f: {  	s16 =	sadd.s32 $0x7, s14;
	s17 =	sor.u32 $0x4, s14;
	_ =	swait.ge [sflag:s2], $0x4000  }
0x70: {  	s26 =	sand.u32 $0x3FFFC000, s15;
	s15 =	sadd.s32 s30, s12;
	[sflag:s2] =	ssyncset.done $0x0  }
0x71: {  	s19 =	sshll.u32 s17, $0x3;
	[sflag:s2] =	ssyncadd.s32 $0xFFFFC000;
	s2 =	sor.u32 $0x200, s26  }
0x72: {  	[hbm4b:s15+s3] =	stream.linear.scatter [tilespmem:s2], [sflag:s16], $0x4000, $0x38;
	[tilespmem:$0x18200] =	vst v63  }
0x73: {  	s15 =	sand.u32 $0x3FFFFFF8, s19  }
0x74: {  	v2 =	vld.msk [tilespmem:s15+$0x0], $0xff;
	_ =	sdelay $0x4  }
0x75: {  	v3 =	vshll.u32 v2, $0x4  }
0x76: {  	v2 =	vand.u32 $0x7, v2;
	v3 =	vand.u32 $0xFFFFFF80, v3  }
0x77: {  	v2 =	vor.u32 v2, v3  }
0x78: {  	v2 =	vperm.xlane v2, v0;
	_ =	sdelay $0x1  }
0x79: {  	v2 =	vadd.s32 v1, v2;
	_ =	sdelay $0x1  }
0x7a: {  	s2 =	sshll.u32 s17, $0xE  }
0x7b: {  	s2 =	sand.u32 $0x3FFFC000, s2  }
0x7c: {  	s21 =	sadd.s32 $0x5, s14;
	s20 =	sor.u32 $0x200, s2  }
0x7d: {  	[tilespmem:s20], [sflag:s21] =	stream.indirect_vreg.gather [hbm4b:s1+s3], $0x80, v2, vm0, $0xb8;
	[tilespmem:$0x18200] =	vst v63  }
0x7e: {  	s22 =	sor.u32 $0xA00, s2  }
0x7f: {  	[tilespmem:s22], [sflag:s21] =	stream.indirect_vreg.gather [hbm4b:s5+s3], $0x80, v2, vm0, $0xb8;
	[tilespmem:$0x18200] =	vst v63  }
0x80: {  	s23 =	sor.u32 $0x1200, s2  }
0x81: {  	[tilespmem:s23], [sflag:s21] =	stream.indirect_vreg.gather [hbm4b:s6+s3], $0x80, v2, vm0, $0xb8;
	[tilespmem:$0x18200] =	vst v63  }
0x82: {  	s24 =	sor.u32 $0x1A00, s2  }
0x83: {  	[tilespmem:s24], [sflag:s21] =	stream.indirect_vreg.gather [hbm4b:s7+s3], $0x80, v2, vm0, $0xb8;
	[tilespmem:$0x18200] =	vst v63  }
0x84: {  	s25 =	sor.u32 $0x2200, s2  }
0x85: {  	[tilespmem:s25], [sflag:s21] =	stream.indirect_vreg.gather [hbm4b:s8+s3], $0x80, v2, vm0, $0xb8;
	[tilespmem:$0x18200] =	vst v63  }
0x86: {  	p1 =	por p0, p0;
	s26 =	sor.u32 $0x2A00, s2  }
0x87: {  	[tilespmem:s26], [sflag:s21] =	stream.indirect_vreg.gather [hbm4b:s9+s3], $0x80, v2, vm0, $0xb8;
	[tilespmem:$0x18200] =	vst v63  }
.Ltmp0:
0x88: {  	s30 =	sor.u32 $0x3200, s2;
	(pc) =	sbr.rel @p1 .LBB2_2-.Ltmp0, $4  }
0x89: {  	[tilespmem:s30], [sflag:s21] =	stream.indirect_vreg.gather [hbm4b:s10+s3], $0x80, v2, vm0, $0xb8;
	[tilespmem:$0x18200] =	vst v63  }
0x8a: {  	s14 =	simm.s32 $0x1;
	s2 =	sor.u32 $0x3A00, s2  }
0x8b: {  	[tilespmem:s2], [sflag:s21] =	stream.indirect_vreg.gather [hbm4b:s11+s3], $0x80, v2, vm0, $0xb8;
	[tilespmem:$0x18200] =	vst v63  }
0x8c: {  	p0 =	por $0x0, $0x0;
	s15 =	simm.s32 $0x6;
	s2 =	simm.s32 $0x30  }
0x8d: {  	s14 =	smul.u32 $0xAB, s15;
	_ =	sdelay $0x1  }
0x8e: {  	s15 =	sadd.s32 $0xFFFFFD54, s14  }
0x8f: {  	s15 =	sshrl.u32 s15, $0xA  }
0x90: {  	s15 =	sand.u32 $0x3F, s15  }
0x91: {  	s15 =	smul.u32 $0x6, s15  }
0x92: {  	s14 =	sshrl.u32 s14, $0xA  }
0x93: {  	s14 =	sand.u32 $0x3F, s14;
	s15 =	ssub.s32 $0x6, s15  }
0x94: {  	s14 =	smul.u32 $0x6, s14;
	s15 =	sadd.s32 $0xFFFFFFFC, s15  }
0x95: {  	s15 =	sand.u32 $0xFF, s15  }
0x96: {  	s14 =	ssub.s32 $0x6, s14;
	s16 =	sadd.s32 $0x1, s15  }
0x97: {  	s19 =	sand.u32 $0xFF, s14;
	_ =	swait.ge [sflag:s16], $0x4000  }
0x98: {  	s17 =	sadd.s32 $0x7, s19;
	s22 =	sshll.u32 s15, $0xE;
	[sflag:s16] =	ssyncset.done $0x0  }
0x99: {  	s15 =	sadd.s32 $0x7, s15;
	s14 =	sor.u32 $0x200, s22;
	[sflag:s16] =	ssyncadd.s32 $0xFFFFC000  }
0x9a: {  	[hbm4b:s18+s3] =	stream.linear.scatter [tilespmem:s14], [sflag:s15], $0x4000, $0x38;
	[tilespmem:$0x18200] =	vst v63  }
0x9b: {  	_ =	swait.ge [sflag:s17], $0x4000  }
0x9c: {  	[sflag:s17] =	ssyncset.done $0x0  }
0x9d: {  	[sflag:s17] =	ssyncadd.s32 $0xFFFFC000  }
0x9e: {  	v2 =	vld.msk [tilespmem:s2+$0x0], $0xff;
	_ =	sdelay $0x4  }
0x9f: {  	v3 =	vshll.u32 v2, $0x4  }
0xa0: {  	v2 =	vand.u32 $0x7, v2;
	v3 =	vand.u32 $0xFFFFFF80, v3  }
0xa1: {  	v2 =	vor.u32 v2, v3  }
0xa2: {  	s16 =	simm.s32 $0x7;
	v2 =	vperm.xlane v2, v0  }
0xa3: {  	s23 =	smul.u32 $0xAB, s16  }
0xa4: {  	s25 =	simm.s32 $0x8;
	s22 =	sadd.s32 $0x1, s19;
	v2 =	vadd.s32 v1, v2  }
0xa5: {  	s14 =	simm.s32 $0x38;
	s20 =	sshrl.u32 s23, $0xA;
	s17 =	sshll.u32 s19, $0xE  }
0xa6: {  	s15 =	sadd.s32 $0x800, s18;
	s20 =	sand.u32 $0x3F, s20;
	s30 =	sor.u32 $0x2200, s17  }
0xa7: {  	s24 =	sor.u32 $0x200, s17;
	s2 =	sadd.s32 $0xFFFFFD54, s23;
	s26 =	sor.u32 $0xA00, s17  }
0xa8: {  	s19 =	sor.u32 $0x1200, s17;
	s20 =	smul.u32 $0x6, s20;
	s2 =	sshrl.u32 s2, $0xA  }
0xa9: {  	[tilespmem:s24], [sflag:s22] =	stream.indirect_vreg.gather [hbm4b:s1+s3], $0x80, v2, vm0, $0xb8;
	[tilespmem:$0x18200] =	vst v63  }
0xaa: {  	s23 =	sor.u32 $0x1A00, s17;
	s24 =	sand.u32 $0x3F, s2;
	s2 =	sor.u32 $0x2A00, s17  }
0xab: {  	[tilespmem:s26], [sflag:s22] =	stream.indirect_vreg.gather [hbm4b:s5+s3], $0x80, v2, vm0, $0xb8;
	[tilespmem:$0x18200] =	vst v63  }
.LBB2_4:
0xac: {  	s21 =	smul.u32 $0x6, s24  }
0xad: {  	s20 =	ssub.s32 s16, s20;
	s24 =	sor.u32 $0x3200, s17;
	s26 =	smov.u32 s25  }
0xae: {  	[tilespmem:s19], [sflag:s22] =	stream.indirect_vreg.gather [hbm4b:s6+s3], $0x80, v2, vm0, $0xb8;
	[tilespmem:$0x18200] =	vst v63  }
0xaf: {  	s20 =	sand.u32 $0xFF, s20;
	s19 =	sor.u32 $0x3A00, s17;
	s16 =	ssub.s32 s16, s21  }
0xb0: {  	[tilespmem:s23], [sflag:s22] =	stream.indirect_vreg.gather [hbm4b:s7+s3], $0x80, v2, vm0, $0xb8;
	[tilespmem:$0x18200] =	vst v63  }
0xb1: {  	s21 =	sadd.s32 $0x1, s25;
	s17 =	sshll.u32 s20, $0xE;
	s16 =	sadd.s32 $0xFFFFFFFC, s16  }
0xb2: {  	[tilespmem:s30], [sflag:s22] =	stream.indirect_vreg.gather [hbm4b:s8+s3], $0x80, v2, vm0, $0xb8;
	[tilespmem:$0x18200] =	vst v63  }
0xb3: {  	p0 =	sne.s32 s25, $0x3F;
	s23 =	sand.u32 $0xFF, s16;
	s30 =	sor.u32 $0x2200, s17  }
0xb4: {  	[tilespmem:s2], [sflag:s22] =	stream.indirect_vreg.gather [hbm4b:s9+s3], $0x80, v2, vm0, $0xb8;
	[tilespmem:$0x18200] =	vst v63  }
0xb5: {  	s16 =	smov.u32 s26;
	s2 =	sshll.u32 s23, $0xE  }
0xb6: {  	[tilespmem:s24], [sflag:s22] =	stream.indirect_vreg.gather [hbm4b:s10+s3], $0x80, v2, vm0, $0xb8;
	[tilespmem:$0x18200] =	vst v63  }
0xb7: {  	s24 =	sadd.s32 $0x1, s23  }
0xb8: {  	[tilespmem:s19], [sflag:s22] =	stream.indirect_vreg.gather [hbm4b:s11+s3], $0x80, v2, vm0, $0xb8;
	[tilespmem:$0x18200] =	vst v63  }
0xb9: {  	_ =	swait.ge [sflag:s24], $0x4000  }
0xba: {  	s19 =	sadd.s32 $0x7, s20;
	[sflag:s24] =	ssyncset.done $0x0  }
0xbb: {  	s2 =	sor.u32 $0x200, s2;
	s22 =	sadd.s32 $0x7, s23;
	[sflag:s24] =	ssyncadd.s32 $0xFFFFC000  }
0xbc: {  	[hbm4b:s15+s3] =	stream.linear.scatter [tilespmem:s2], [sflag:s22], $0x4000, $0x38;
	[tilespmem:$0x18200] =	vst v63  }
0xbd: {  	_ =	swait.ge [sflag:s19], $0x4000  }
0xbe: {  	[sflag:s19] =	ssyncset.done $0x0  }
0xbf: {  	[sflag:s19] =	ssyncadd.s32 $0xFFFFC000  }
0xc0: {  	v2 =	vld.msk [tilespmem:s14+$0x0], $0xff;
	_ =	sdelay $0x4  }
0xc1: {  	v3 =	vshll.u32 v2, $0x4  }
0xc2: {  	v2 =	vand.u32 $0x7, v2;
	v3 =	vand.u32 $0xFFFFFF80, v3  }
0xc3: {  	v2 =	vor.u32 v2, v3  }
0xc4: {  	v2 =	vperm.xlane v2, v0;
	_ =	sdelay $0x1  }
0xc5: {  	v2 =	vadd.s32 v1, v2  }
0xc6: {  	s2 =	smul.u32 $0xAB, s16  }
0xc7: {  	s15 =	sadd.s32 $0x800, s15;
	s14 =	sadd.s32 $0x8, s14  }
0xc8: {  	s22 =	sadd.s32 $0x1, s20;
	s23 =	sshrl.u32 s2, $0xA;
	s19 =	sor.u32 $0x1200, s17  }
0xc9: {  	s2 =	sadd.s32 $0xFFFFFD54, s2;
	s20 =	sand.u32 $0x3F, s23;
	s23 =	sor.u32 $0x200, s17  }
0xca: {  	[tilespmem:s23], [sflag:s22] =	stream.indirect_vreg.gather [hbm4b:s1+s3], $0x80, v2, vm0, $0xb8;
	[tilespmem:$0x18200] =	vst v63  }
.Ltmp1:
0xcb: {  	_ = 	snop;
	(pc) =	sbr.rel @p0 .LBB2_4-.Ltmp1, $4  }
0xcc: {  	s25 =	sor.u32 $0xA00, s17;
	s2 =	sshrl.u32 s2, $0xA;
	s20 =	smul.u32 $0x6, s20  }
0xcd: {  	s24 =	sand.u32 $0x3F, s2;
	s2 =	sor.u32 $0x2A00, s17;
	s23 =	sor.u32 $0x1A00, s17  }
0xce: {  	[tilespmem:s25], [sflag:s22] =	stream.indirect_vreg.gather [hbm4b:s5+s3], $0x80, v2, vm0, $0xb8;
	[tilespmem:$0x18200] =	vst v63  }
0xcf: {  	s25 =	smov.u32 s21  }
0xd0: {  	_ =	sdelay $0x3  }
0xd1: {  	[tilespmem:s19], [sflag:s22] =	stream.indirect_vreg.gather [hbm4b:s6+s3], $0x80, v2, vm0, $0xb8;
	[tilespmem:$0x18200] =	vst v63  }
0xd2: {  	_ = 	snop  }
0xd3: {  	[tilespmem:s23], [sflag:s22] =	stream.indirect_vreg.gather [hbm4b:s7+s3], $0x80, v2, vm0, $0xb8;
	[tilespmem:$0x18200] =	vst v63  }
0xd4: {  	_ = 	snop  }
0xd5: {  	[tilespmem:s30], [sflag:s22] =	stream.indirect_vreg.gather [hbm4b:s8+s3], $0x80, v2, vm0, $0xb8;
	[tilespmem:$0x18200] =	vst v63  }
0xd6: {  	s21 =	smul.u32 $0x6, s24  }
0xd7: {  	[tilespmem:s2], [sflag:s22] =	stream.indirect_vreg.gather [hbm4b:s9+s3], $0x80, v2, vm0, $0xb8;
	[tilespmem:$0x18200] =	vst v63  }
0xd8: {  	s2 =	ssub.s32 s16, s21  }
0xd9: {  	s23 =	sor.u32 $0x3200, s17;
	s2 =	sadd.s32 $0xFFFFFFFC, s2  }
0xda: {  	[tilespmem:s23], [sflag:s22] =	stream.indirect_vreg.gather [hbm4b:s10+s3], $0x80, v2, vm0, $0xb8;
	[tilespmem:$0x18200] =	vst v63  }
0xdb: {  	s2 =	sand.u32 $0xFF, s2  }
0xdc: {  	s24 =	sor.u32 $0x3A00, s17;
	s25 =	sadd.s32 $0x1, s2  }
0xdd: {  	[tilespmem:s24], [sflag:s22] =	stream.indirect_vreg.gather [hbm4b:s11+s3], $0x80, v2, vm0, $0xb8;
	[tilespmem:$0x18200] =	vst v63  }
0xde: {  	_ =	swait.ge [sflag:s25], $0x4000  }
0xdf: {  	s19 =	ssub.s32 s16, s20;
	s26 =	sshll.u32 s2, $0xE;
	[sflag:s25] =	ssyncset.done $0x0  }
0xe0: {  	s2 =	sadd.s32 $0x7, s2;
	s30 =	sor.u32 $0x200, s26;
	[sflag:s25] =	ssyncadd.s32 $0xFFFFC000  }
0xe1: {  	[hbm4b:s15+s3] =	stream.linear.scatter [tilespmem:s30], [sflag:s2], $0x4000, $0x38;
	[tilespmem:$0x18200] =	vst v63  }
0xe2: {  	s2 =	sand.u32 $0xFF, s19  }
0xe3: {  	s20 =	sadd.s32 $0x7, s2  }
0xe4: {  	_ =	swait.ge [sflag:s20], $0x4000  }
0xe5: {  	[sflag:s20] =	ssyncset.done $0x0  }
0xe6: {  	[sflag:s20] =	ssyncadd.s32 $0xFFFFC000  }
0xe7: {  	v2 =	vld.msk [tilespmem:s14+$0x0], $0xff;
	_ =	sdelay $0x4  }
0xe8: {  	v3 =	vshll.u32 v2, $0x4  }
0xe9: {  	v2 =	vand.u32 $0x7, v2;
	v3 =	vand.u32 $0xFFFFFF80, v3  }
0xea: {  	v2 =	vor.u32 v2, v3  }
0xeb: {  	v2 =	vperm.xlane v2, v0;
	_ =	sdelay $0x1  }
0xec: {  	v2 =	vadd.s32 v1, v2;
	_ =	sdelay $0x2  }
0xed: {  	s21 =	sshll.u32 s2, $0xE  }
0xee: {  	s2 =	sadd.s32 $0x1, s2;
	s22 =	sor.u32 $0x200, s21  }
0xef: {  	[tilespmem:s22], [sflag:s2] =	stream.indirect_vreg.gather [hbm4b:s1+s3], $0x80, v2, vm0, $0xb8;
	[tilespmem:$0x18200] =	vst v63  }
0xf0: {  	s23 =	sor.u32 $0xA00, s21  }
0xf1: {  	[tilespmem:s23], [sflag:s2] =	stream.indirect_vreg.gather [hbm4b:s5+s3], $0x80, v2, vm0, $0xb8;
	[tilespmem:$0x18200] =	vst v63  }
0xf2: {  	s24 =	sor.u32 $0x1200, s21  }
0xf3: {  	[tilespmem:s24], [sflag:s2] =	stream.indirect_vreg.gather [hbm4b:s6+s3], $0x80, v2, vm0, $0xb8;
	[tilespmem:$0x18200] =	vst v63  }
0xf4: {  	s25 =	sor.u32 $0x1A00, s21  }
0xf5: {  	[tilespmem:s25], [sflag:s2] =	stream.indirect_vreg.gather [hbm4b:s7+s3], $0x80, v2, vm0, $0xb8;
	[tilespmem:$0x18200] =	vst v63  }
0xf6: {  	s26 =	sor.u32 $0x2200, s21  }
0xf7: {  	[tilespmem:s26], [sflag:s2] =	stream.indirect_vreg.gather [hbm4b:s8+s3], $0x80, v2, vm0, $0xb8;
	[tilespmem:$0x18200] =	vst v63  }
0xf8: {  	s30 =	sor.u32 $0x2A00, s21  }
0xf9: {  	[tilespmem:s30], [sflag:s2] =	stream.indirect_vreg.gather [hbm4b:s9+s3], $0x80, v2, vm0, $0xb8;
	[tilespmem:$0x18200] =	vst v63  }
0xfa: {  	s16 =	sor.u32 $0x3200, s21  }
0xfb: {  	[tilespmem:s16], [sflag:s2] =	stream.indirect_vreg.gather [hbm4b:s10+s3], $0x80, v2, vm0, $0xb8;
	[tilespmem:$0x18200] =	vst v63  }
0xfc: {  	s17 =	simm.s32 $0x1;
	s14 =	sor.u32 $0x3A00, s21  }
0xfd: {  	[tilespmem:s14], [sflag:s2] =	stream.indirect_vreg.gather [hbm4b:s11+s3], $0x80, v2, vm0, $0xb8;
	[tilespmem:$0x18200] =	vst v63  }
0xfe: {  	_ =	swait.ge [sflag:s17], $0x4000  }
0xff: {  	s15 =	simm.s32 $0x200;
	[sflag:s17] =	ssyncset.done $0x0  }
0x100: {  	s20 =	simm.s32 $0x2;
	s19 =	rddreg [dreg:$0x6];
	[sflag:s17] =	ssyncadd.s32 $0xFFFFC000  }
0x101: {  	[hbm4b:s19+s3] =	stream.linear.scatter [tilespmem:s15], [sflag:$0x7], $0x4000, $0x38;
	[tilespmem:$0x18200] =	vst v63  }
0x102: {  	_ =	swait.ge [sflag:s20], $0x4000  }
0x103: {  	s22 =	simm.s32 $0x3;
	[sflag:s20] =	ssyncset.done $0x0  }
0x104: {  	s16 =	simm.s32 $0x4200;
	s21 =	rddreg [dreg:$0x7];
	[sflag:s20] =	ssyncadd.s32 $0xFFFFC000  }
0x105: {  	[hbm4b:s21+s3] =	stream.linear.scatter [tilespmem:s16], [sflag:$0x8], $0x4000, $0x38;
	[tilespmem:$0x18200] =	vst v63  }
0x106: {  	_ =	swait.ge [sflag:s22], $0x4000  }
0x107: {  	s24 =	simm.s32 $0x4;
	[sflag:s22] =	ssyncset.done $0x0  }
0x108: {  	s17 =	simm.s32 $0x8200;
	s23 =	rddreg [dreg:$0x8];
	[sflag:s22] =	ssyncadd.s32 $0xFFFFC000  }
0x109: {  	[hbm4b:s23+s3] =	stream.linear.scatter [tilespmem:s17], [sflag:$0x9], $0x4000, $0x38;
	[tilespmem:$0x18200] =	vst v63  }
0x10a: {  	_ =	swait.ge [sflag:s24], $0x4000  }
0x10b: {  	s26 =	simm.s32 $0x7;
	[sflag:s24] =	ssyncset.done $0x0  }
0x10c: {  	s19 =	simm.s32 $0xC200;
	s25 =	rddreg [dreg:$0x9];
	[sflag:s24] =	ssyncadd.s32 $0xFFFFC000  }
0x10d: {  	[hbm4b:s25+s3] =	stream.linear.scatter [tilespmem:s19], [sflag:$0xA], $0x4000, $0x38;
	[tilespmem:$0x18200] =	vst v63  }
0x10e: {  	_ =	swait.ge [sflag:s26], $0x4000  }
0x10f: {  	[sflag:s26] =	ssyncset.done $0x0  }
0x110: {  	[sflag:s26] =	ssyncadd.s32 $0xFFFFC000  }
0x111: {  	_ =	swait.ge [sflag:s28], $0x4000  }
0x112: {  	[sflag:s28] =	ssyncset.done $0x0  }
0x113: {  	[sflag:s28] =	ssyncadd.s32 $0xFFFFC000  }
0x114: {  	_ =	swait.ge [sflag:s29], $0x4000  }
0x115: {  	[sflag:s29] =	ssyncset.done $0x0  }
0x116: {  	[sflag:s29] =	ssyncadd.s32 $0xFFFFC000  }
0x117: {  	_ =	swait.ge [sflag:s31], $0x4000  }
0x118: {  	[sflag:s31] =	ssyncset.done $0x0  }
0x119: {  	[sflag:s31] =	ssyncadd.s32 $0xFFFFC000  }
0x11a: {  	_ =	swait.ge [sflag:s0], $0x4000  }
0x11b: {  	[sflag:s0] =	ssyncset.done $0x0  }
0x11c: {  	[sflag:s0] =	ssyncadd.s32 $0xFFFFC000  }
0x11d: {  	_ =	swait.ge [sflag:s4], $0x4000  }
0x11e: {  	s13 =	sadd.s32 $0x1, s13;
	s30 =	rddreg [dreg:$0x5]  }
0x11f: {  	p0 =	sne.s32 s13, s30  }
.Ltmp2:
0x120: {  	_ = 	snop;
	(pc) =	sbr.rel @p0 .LBB2_1-.Ltmp2, $3  }
0x121: {  	_ =	sdelay $0x1  }
0x122: {  	[sflag:s4] =	ssyncset.done $0x0  }
0x123: {  	[sflag:s4] =	ssyncadd.s32 $0xFFFFC000  }
0x124: {  	_ =	sfence.sel $0x180000  }
0x125: {  	[bflag:$0x0] =	sbarrier.arrive $0xFFFF  }
0x126: {  	_ =	strace $0x90000047  }
0x127: {  	s0 =	stileid.u32;
	[bflag:$0x2] =	sbarrier.arrive $0xFFFF  }
0x128: {  	p0 =	sne.s32 s0, $0x0;
	s0 =	rddreg [dreg:$0x3]  }
0x129: {  	s0 =	sadd.s32 @!p0 $0x100000, s0  }
0x12a: {  	[sflag:s0] =	ssyncadd.tile.s32 @!p0 $0x1;
	_ =	shalt  }
.Lfunc_end2:
_tile_overlayer_lowered:
.L_overlay_start_2:
0x12b: {  	(tag) =	ssettag $0x2  }
0x12c: {  	s0 =	rddreg [dreg:$0x0];
	s2 =	stileid.u32  }
0x12d: {  	s1 =	rddreg [dreg:$0x1];
	p0 =	sne.s32 s2, $0x0  }
0x12e: {  	s3 =	rddreg [dreg:$0x2];
	[bflag:$0x3] =	sbarrier.arrive $0xFFFF;
	s2 =	simm.s32 @!p0 $0x1C0D  }
0x12f: {  	[timem:s3], [sflag:s2] =	dma.local @!p0 [hbm:s0], s1  }
0x130: {  	s0 =	simm.s32 @!p0 $0xD  }
0x131: {  	_ =	swait.ge @!p0 [sflag:s0], s1  }
0x132: {  	s1 =	ssub.s32 @!p0 $0x0, s1;
	[sflag:s0] =	ssyncset.done @!p0 $0x0  }
0x133: {  	[sflag:s0] =	ssyncadd.s32 @!p0 s1  }
0x134: {  	[bflag:$0x3] =	sbarrier.arrive $0xFFFF  }
0x135: {  	_ =	shalt  }

</sc_bundles>
